<compile_context>
chip_gen: v7x
topology: tpu7x:2x2x1
jax: 0.10.2.dev20260603
libtpu: 0.0.44.dev20260713+nightly
codegen_flags: <defaults>
</compile_context>

<pallas_src>
import functools

import jax
import jax.numpy as jnp
from jax import lax
from jax.experimental import pallas as pl
from jax.experimental.pallas import tpu as pltpu
from jax.experimental.pallas import tpu_sc as plsc

NC = 2
NS = 16
NW = NC * NS

DW = 128
DO = 128
EB = 128


def _make_edge_pass(n_acc, n_chunk_rows):
    rpw = n_chunk_rows // NW
    nh = 2
    rph = rpw // nh
    stripe = n_acc // NS

    mesh = plsc.VectorSubcoreMesh(core_axis_name="c", subcore_axis_name="s")

    @functools.partial(
        pl.kernel,
        out_type=[jax.ShapeDtypeStruct((NC, n_acc, DO), jnp.float32)],
        mesh=mesh,
        scratch_types=[
            pltpu.VMEM((rph, EB), jnp.int32),
            pltpu.VMEM((rph, EB), jnp.int32),
            pltpu.VMEM((EB, DW), jnp.float32),
            pltpu.VMEM((EB, DW), jnp.float32),
            pltpu.SemaphoreType.DMA,
            pltpu.SemaphoreType.DMA,
            pltpu.VMEM_SHARED((n_acc, DW), jnp.float32),
        ],
    )
    def edge_pass(table, src, dst, zrows, acc_out,
                  src_v, dst_v, rows0, rows1, g0, g1, acc_sh):
        c = lax.axis_index("c")
        s = lax.axis_index("s")
        wid = s * NC + c
        st = s * stripe

        pltpu.sync_copy(zrows, rows0)
        for k in range(stripe // EB):
            pltpu.sync_copy(rows0, acc_sh.at[pl.ds(st + k * EB, EB)])
        rem = stripe % EB
        if rem:
            pltpu.sync_copy(rows0.at[pl.ds(0, rem)],
                            acc_sh.at[pl.ds(st + (stripe // EB) * EB, rem)])
        plsc.subcore_barrier()

        row0 = wid * rpw

        def half(hh, carry):
            base = row0 + hh * rph
            pltpu.sync_copy(src.at[pl.ds(base, rph)], src_v)
            pltpu.sync_copy(dst.at[pl.ds(base, rph)], dst_v)
            pltpu.async_copy(table.at[src_v.at[0]], rows0, g0)

            def pair(it, c2):
                b0 = it * 2
                pltpu.async_copy(table.at[src_v.at[b0 + 1]], rows1, g1)
                pltpu.make_async_copy(table.at[src_v.at[b0]], rows0, g0).wait()
                pltpu.sync_copy(rows0, acc_sh.at[dst_v.at[b0]], add=True)

                @pl.when(b0 + 2 < rph)
                def _fire_next():
                    pltpu.async_copy(table.at[src_v.at[b0 + 2]], rows0, g0)

                pltpu.make_async_copy(table.at[src_v.at[b0 + 1]],
                                      rows1, g1).wait()
                pltpu.sync_copy(rows1, acc_sh.at[dst_v.at[b0 + 1]], add=True)
                return c2

            lax.fori_loop(0, rph // 2, pair, 0)
            return carry

        lax.fori_loop(0, nh, half, 0)

        plsc.subcore_barrier()
        pltpu.sync_copy(acc_sh.at[pl.ds(st, stripe)],
                        acc_out.at[c, pl.ds(st, stripe)])

    return edge_pass


def _layer1_pre(x, w1, d_hid, bm):
    n, k = x.shape
    dw2 = 2 * d_hid

    def body(x_ref, w_ref, t_ref, r_ref):
        z = jnp.dot(x_ref[...], w_ref[...], preferred_element_type=jnp.float32)
        ones = jnp.ones((bm, 1), jnp.float32)
        zeros = jnp.zeros((bm, DW - d_hid - 1), jnp.float32)
        t_ref[...] = jnp.concatenate([z[:, :d_hid], ones, zeros], axis=1)
        r_ref[...] = z[:, d_hid:]

    return pl.pallas_call(
        body,
        grid=(n // bm,),
        in_specs=[pl.BlockSpec((bm, k), lambda i: (i, 0)),
                  pl.BlockSpec((k, dw2), lambda i: (0, 0))],
        out_specs=[pl.BlockSpec((bm, DW), lambda i: (i, 0)),
                   pl.BlockSpec((bm, d_hid), lambda i: (i, 0))],
        out_shape=[jax.ShapeDtypeStruct((n, DW), jnp.float32),
                   jax.ShapeDtypeStruct((n, d_hid), jnp.float32)],
    )(x, w1)


def _layer1_post(acc1, r1, b1, bm):
    n, d = r1.shape

    def body(a_ref, r1_ref, b1_ref, h128_ref, h_ref, idg_ref):
        a = a_ref[0] + a_ref[1]
        inv = 1.0 / jnp.maximum(a[:, d:d + 1], 1.0)
        h = jnp.maximum(a[:, :d] * inv + r1_ref[...] + b1_ref[...], 0.0)
        h128_ref[...] = jnp.concatenate(
            [h, jnp.zeros((bm, DW - d), jnp.float32)], axis=1)
        h_ref[...] = h
        idg_ref[...] = jnp.broadcast_to(inv, (bm, 8))

    return pl.pallas_call(
        body,
        grid=(n // bm,),
        in_specs=[pl.BlockSpec((2, bm, DO), lambda i: (0, i, 0)),
                  pl.BlockSpec((bm, d), lambda i: (i, 0)),
                  pl.BlockSpec((1, d), lambda i: (0, 0))],
        out_specs=[pl.BlockSpec((bm, DW), lambda i: (i, 0)),
                   pl.BlockSpec((bm, d), lambda i: (i, 0)),
                   pl.BlockSpec((bm, 8), lambda i: (i, 0))],
        out_shape=[jax.ShapeDtypeStruct((n, DW), jnp.float32),
                   jax.ShapeDtypeStruct((n, d), jnp.float32),
                   jax.ShapeDtypeStruct((n, 8), jnp.float32)],
    )(acc1, r1, b1)


def _layer2_post(acc2, h, idg, w_l, w_r, b2, bm):
    d, m = w_l.shape
    n = h.shape[0]

    def body(a2_ref, h_ref, idg_ref, wl_ref, wr_ref, b2_ref, o_ref):
        mean = (a2_ref[0] + a2_ref[1])[:, :d] * idg_ref[:, :1]
        o_ref[...] = (jnp.dot(mean, wl_ref[...],
                              preferred_element_type=jnp.float32)
                      + jnp.dot(h_ref[...], wr_ref[...],
                                preferred_element_type=jnp.float32)
                      + b2_ref[...])

    return pl.pallas_call(
        body,
        grid=(n // bm,),
        in_specs=[pl.BlockSpec((2, bm, DO), lambda i: (0, i, 0)),
                  pl.BlockSpec((bm, d), lambda i: (i, 0)),
                  pl.BlockSpec((bm, 8), lambda i: (i, 0)),
                  pl.BlockSpec((d, m), lambda i: (0, 0)),
                  pl.BlockSpec((d, m), lambda i: (0, 0)),
                  pl.BlockSpec((1, m), lambda i: (0, 0))],
        out_specs=pl.BlockSpec((bm, m), lambda i: (i, 0)),
        out_shape=jax.ShapeDtypeStruct((n, m), jnp.float32),
    )(acc2, h, idg, w_l, w_r, b2)


def kernel(x, edge_index, W1_l, W1_r, b1, W2_l, W2_r, b2):
    n, d_in = x.shape
    d_hid = W1_l.shape[1]
    d_out = W2_l.shape[1]
    e = edge_index.shape[1]

    rpw = -(-e // (NW * EB))
    rpw = -(-rpw // 4) * 4
    n_chunk_rows = NW * rpw
    e_pad = n_chunk_rows * EB

    n_acc = -(-(n + 1) // (NS * 8)) * (NS * 8)

    src = edge_index[0].astype(jnp.int32)
    dst = edge_index[1].astype(jnp.int32)
    pad_i = jnp.arange(e_pad - e, dtype=jnp.int32)
    src_p = jnp.concatenate([src, pad_i % n]).reshape(n_chunk_rows, EB)
    dst_p = jnp.concatenate(
        [dst, n + pad_i % (n_acc - n)]).reshape(n_chunk_rows, EB)

    zrows = jnp.zeros((EB, DW), jnp.float32)

    w1 = jnp.concatenate([W1_l, W1_r], axis=1)
    table1, r1 = _layer1_pre(x, w1, d_hid, bm=1000)

    edge_pass = _make_edge_pass(n_acc, n_chunk_rows)
    (acc1,) = edge_pass(table1, src_p, dst_p, zrows)

    h128, h16, idg = _layer1_post(acc1, r1, b1.reshape(1, d_hid), bm=1000)

    (acc2,) = edge_pass(h128, src_p, dst_p, zrows)

    out = _layer2_post(acc2, h16, idg,
                       W2_l, W2_r, b2.reshape(1, d_out), bm=1000)
    return out

# --- scband reference (transcript-rebuilt; emitter-appended) ---
"""Pipeline reference for scband-gnn-21105469292716 (READ-ONLY COPY).

The authoritative reference and input builder live on the scoring server;
editing this copy changes nothing except your own understanding.
"""

import jax, jax.numpy as jnp
import numpy as np

N_NODES = 10000
D_FEAT = 128
D_HID = 16
D_OUT = 2
N_EDGES = 320000


def setup_inputs(seed: int = 0) -> dict:
    key = jax.random.key(seed)
    k_x, k_ei, k1, k2, k3, k4 = jax.random.split(key, 6)
    x = jax.random.normal(k_x, (N_NODES, D_FEAT), dtype=jnp.float32)
    edge_index = jax.random.randint(k_ei, (2, N_EDGES), 0, N_NODES, dtype=jnp.int64)
    # SAGEConv layer 1: lin_l (applied to aggregated neighbors), lin_r (applied to self/root)
    W1_l = jax.random.normal(k1, (D_FEAT, D_HID), dtype=jnp.float32) * (1.0 / np.sqrt(D_FEAT))
    W1_r = jax.random.normal(k2, (D_FEAT, D_HID), dtype=jnp.float32) * (1.0 / np.sqrt(D_FEAT))
    b1 = jnp.zeros((D_HID,), dtype=jnp.float32)
    # SAGEConv layer 2
    W2_l = jax.random.normal(k3, (D_HID, D_OUT), dtype=jnp.float32) * (1.0 / np.sqrt(D_HID))
    W2_r = jax.random.normal(k4, (D_HID, D_OUT), dtype=jnp.float32) * (1.0 / np.sqrt(D_HID))
    b2 = jnp.zeros((D_OUT,), dtype=jnp.float32)
    return {"x": x, "edge_index": edge_index, "W1_l": W1_l, "W1_r": W1_r, "b1": b1, "W2_l": W2_l, "W2_r": W2_r, "b2": b2}


def _sage_conv(x, edge_index, W_l, W_r, b):
    # PyG SAGEConv with mean aggregation:
    #   out[i] = W_l @ mean_{j in N(i)} x[j] + W_r @ x[i] + b
    src = edge_index[0]
    dst = edge_index[1]
    msgs = jnp.take(x, src, axis=0)                      # gather: [E, d]
    summed = jax.ops.segment_sum(msgs, dst, num_segments=x.shape[0])
    deg = jax.ops.segment_sum(jnp.ones((edge_index.shape[1],), dtype=x.dtype), dst, num_segments=x.shape[0])
    mean_agg = summed / jnp.clip(deg, 1.0, None)[:, None]
    return mean_agg @ W_l + x @ W_r + b


def reference(x, edge_index, W1_l, W1_r, b1, W2_l, W2_r, b2):
    h = _sage_conv(x, edge_index, W1_l, W1_r, b1)
    h = jax.nn.relu(h)
    out = _sage_conv(h, edge_index, W2_l, W2_r, b2)
    return out

if __name__ == "__main__":
    import jax
    _d = setup_inputs()
    print(jax.jit(kernel)(*tuple(_d.values())))

</pallas_src>

<mosaic_0001>
#map = affine_map<(d0, d1) -> (0, 0)>
#map1 = affine_map<(d0, d1) -> (0, 0, 0)>
module attributes {stable_mosaic.version = 14 : i64} {
  func.func @edge_pass(%arg0: i32, %arg1: i32, %arg2: memref<10000x128xf32, #tpu.memory_space<hbm>>, %arg3: memref<2560x128xi32, #tpu.memory_space<hbm>>, %arg4: memref<2560x128xi32, #tpu.memory_space<hbm>>, %arg5: memref<128x128xf32, #tpu.memory_space<hbm>>, %arg6: memref<2x10112x128xf32, #tpu.memory_space<hbm>>, %arg7: memref<40x128xi32, #tpu.memory_space<vmem>>, %arg8: memref<40x128xi32, #tpu.memory_space<vmem>>, %arg9: memref<128x128xf32, #tpu.memory_space<vmem>>, %arg10: memref<128x128xf32, #tpu.memory_space<vmem>>, %arg11: memref<!tpu.dma_semaphore, #tpu.memory_space<semaphore_mem>>, %arg12: memref<!tpu.dma_semaphore, #tpu.memory_space<semaphore_mem>>, %arg13: memref<10112x128xf32, #tpu.memory_space<vmem_shared>>) attributes {dimension_semantics = [#tpu.dimension_semantics<core_parallel>, #tpu.dimension_semantics<subcore_parallel>], iteration_bounds = array<i64: 2, 16>, scalar_prefetch = 0 : i64, scratch_operands = 7 : i64, tpu.core_type = #tpu.core_type<sc_vector_subcore>, window_params = [{transform_indices = #map}, {transform_indices = #map}, {transform_indices = #map}, {transform_indices = #map}, {transform_indices = #map1}]} {
    %mul3A = arith.constant 2 : i32
    %mul3A_0 = arith.muli %arg1, %mul3A : i32
    %add3A = arith.addi %mul3A_0, %arg0 : i32
    %mul3A_1 = arith.constant 632 : i32
    %mul3A_2 = arith.muli %arg1, %mul3A_1 : i32
    "tpu.region"() ({
      %run_scoped3A = tpu.sem_alloc : memref<!tpu.dma_semaphore, #tpu.memory_space<semaphore_mem>>
      tpu.enqueue_dma source(%arg5 : memref<128x128xf32, #tpu.memory_space<hbm>>) target(%arg9 : memref<128x128xf32, #tpu.memory_space<vmem>>) target_semaphore(%run_scoped3A : memref<!tpu.dma_semaphore, #tpu.memory_space<semaphore_mem>>)
      tpu.wait_dma2 semaphore(%run_scoped3A : memref<!tpu.dma_semaphore, #tpu.memory_space<semaphore_mem>>) src(%arg5 : memref<128x128xf32, #tpu.memory_space<hbm>>) dst(%arg9 : memref<128x128xf32, #tpu.memory_space<vmem>>)
      tpu.yield
    }) : () -> ()
    %add3A_3 = arith.constant 0 : i32
    %add3A_4 = arith.addi %mul3A_2, %add3A_3 : i32
    "tpu.region"() ({
      %run_scoped3A = tpu.sem_alloc : memref<!tpu.dma_semaphore, #tpu.memory_space<semaphore_mem>>
      %dma_start3A = arith.constant 0 : i32
      %dma_start3A_21 = tpu.memref_slice %arg13[%add3A_4, %dma_start3A] : memref<10112x128xf32, #tpu.memory_space<vmem_shared>> -> memref<128x128xf32, #tpu.memory_space<vmem_shared>>
      %dma_start3A_22 = arith.constant 0 : i32
      %dma_start3A_23 = tpu.memref_slice %arg13[%add3A_4, %dma_start3A_22] : memref<10112x128xf32, #tpu.memory_space<vmem_shared>> -> memref<128x128xf32, #tpu.memory_space<vmem_shared>>
      tpu.enqueue_dma source(%arg9 : memref<128x128xf32, #tpu.memory_space<vmem>>) target(%dma_start3A_23 : memref<128x128xf32, #tpu.memory_space<vmem_shared>>) target_semaphore(%run_scoped3A : memref<!tpu.dma_semaphore, #tpu.memory_space<semaphore_mem>>)
      %dma_wait3A = arith.constant 0 : i32
      %dma_wait3A_24 = tpu.memref_slice %arg13[%add3A_4, %dma_wait3A] : memref<10112x128xf32, #tpu.memory_space<vmem_shared>> -> memref<128x128xf32, #tpu.memory_space<vmem_shared>>
      %dma_wait3A_25 = arith.constant 0 : i32
      %dma_wait3A_26 = tpu.memref_slice %arg13[%add3A_4, %dma_wait3A_25] : memref<10112x128xf32, #tpu.memory_space<vmem_shared>> -> memref<128x128xf32, #tpu.memory_space<vmem_shared>>
      tpu.wait_dma2 semaphore(%run_scoped3A : memref<!tpu.dma_semaphore, #tpu.memory_space<semaphore_mem>>) src(%arg9 : memref<128x128xf32, #tpu.memory_space<vmem>>) dst(%dma_wait3A_26 : memref<128x128xf32, #tpu.memory_space<vmem_shared>>)
      tpu.yield
    }) : () -> ()
    %add3A_5 = arith.constant 128 : i32
    %add3A_6 = arith.addi %mul3A_2, %add3A_5 : i32
    "tpu.region"() ({
      %run_scoped3A = tpu.sem_alloc : memref<!tpu.dma_semaphore, #tpu.memory_space<semaphore_mem>>
      %dma_start3A = arith.constant 0 : i32
      %dma_start3A_21 = tpu.memref_slice %arg13[%add3A_6, %dma_start3A] : memref<10112x128xf32, #tpu.memory_space<vmem_shared>> -> memref<128x128xf32, #tpu.memory_space<vmem_shared>>
      %dma_start3A_22 = arith.constant 0 : i32
      %dma_start3A_23 = tpu.memref_slice %arg13[%add3A_6, %dma_start3A_22] : memref<10112x128xf32, #tpu.memory_space<vmem_shared>> -> memref<128x128xf32, #tpu.memory_space<vmem_shared>>
      tpu.enqueue_dma source(%arg9 : memref<128x128xf32, #tpu.memory_space<vmem>>) target(%dma_start3A_23 : memref<128x128xf32, #tpu.memory_space<vmem_shared>>) target_semaphore(%run_scoped3A : memref<!tpu.dma_semaphore, #tpu.memory_space<semaphore_mem>>)
      %dma_wait3A = arith.constant 0 : i32
      %dma_wait3A_24 = tpu.memref_slice %arg13[%add3A_6, %dma_wait3A] : memref<10112x128xf32, #tpu.memory_space<vmem_shared>> -> memref<128x128xf32, #tpu.memory_space<vmem_shared>>
      %dma_wait3A_25 = arith.constant 0 : i32
      %dma_wait3A_26 = tpu.memref_slice %arg13[%add3A_6, %dma_wait3A_25] : memref<10112x128xf32, #tpu.memory_space<vmem_shared>> -> memref<128x128xf32, #tpu.memory_space<vmem_shared>>
      tpu.wait_dma2 semaphore(%run_scoped3A : memref<!tpu.dma_semaphore, #tpu.memory_space<semaphore_mem>>) src(%arg9 : memref<128x128xf32, #tpu.memory_space<vmem>>) dst(%dma_wait3A_26 : memref<128x128xf32, #tpu.memory_space<vmem_shared>>)
      tpu.yield
    }) : () -> ()
    %add3A_7 = arith.constant 256 : i32
    %add3A_8 = arith.addi %mul3A_2, %add3A_7 : i32
    "tpu.region"() ({
      %run_scoped3A = tpu.sem_alloc : memref<!tpu.dma_semaphore, #tpu.memory_space<semaphore_mem>>
      %dma_start3A = arith.constant 0 : i32
      %dma_start3A_21 = tpu.memref_slice %arg13[%add3A_8, %dma_start3A] : memref<10112x128xf32, #tpu.memory_space<vmem_shared>> -> memref<128x128xf32, #tpu.memory_space<vmem_shared>>
      %dma_start3A_22 = arith.constant 0 : i32
      %dma_start3A_23 = tpu.memref_slice %arg13[%add3A_8, %dma_start3A_22] : memref<10112x128xf32, #tpu.memory_space<vmem_shared>> -> memref<128x128xf32, #tpu.memory_space<vmem_shared>>
      tpu.enqueue_dma source(%arg9 : memref<128x128xf32, #tpu.memory_space<vmem>>) target(%dma_start3A_23 : memref<128x128xf32, #tpu.memory_space<vmem_shared>>) target_semaphore(%run_scoped3A : memref<!tpu.dma_semaphore, #tpu.memory_space<semaphore_mem>>)
      %dma_wait3A = arith.constant 0 : i32
      %dma_wait3A_24 = tpu.memref_slice %arg13[%add3A_8, %dma_wait3A] : memref<10112x128xf32, #tpu.memory_space<vmem_shared>> -> memref<128x128xf32, #tpu.memory_space<vmem_shared>>
      %dma_wait3A_25 = arith.constant 0 : i32
      %dma_wait3A_26 = tpu.memref_slice %arg13[%add3A_8, %dma_wait3A_25] : memref<10112x128xf32, #tpu.memory_space<vmem_shared>> -> memref<128x128xf32, #tpu.memory_space<vmem_shared>>
      tpu.wait_dma2 semaphore(%run_scoped3A : memref<!tpu.dma_semaphore, #tpu.memory_space<semaphore_mem>>) src(%arg9 : memref<128x128xf32, #tpu.memory_space<vmem>>) dst(%dma_wait3A_26 : memref<128x128xf32, #tpu.memory_space<vmem_shared>>)
      tpu.yield
    }) : () -> ()
    %add3A_9 = arith.constant 384 : i32
    %add3A_10 = arith.addi %mul3A_2, %add3A_9 : i32
    "tpu.region"() ({
      %run_scoped3A = tpu.sem_alloc : memref<!tpu.dma_semaphore, #tpu.memory_space<semaphore_mem>>
      %dma_start3A = arith.constant 0 : i32
      %dma_start3A_21 = tpu.memref_slice %arg13[%add3A_10, %dma_start3A] : memref<10112x128xf32, #tpu.memory_space<vmem_shared>> -> memref<128x128xf32, #tpu.memory_space<vmem_shared>>
      %dma_start3A_22 = arith.constant 0 : i32
      %dma_start3A_23 = tpu.memref_slice %arg13[%add3A_10, %dma_start3A_22] : memref<10112x128xf32, #tpu.memory_space<vmem_shared>> -> memref<128x128xf32, #tpu.memory_space<vmem_shared>>
      tpu.enqueue_dma source(%arg9 : memref<128x128xf32, #tpu.memory_space<vmem>>) target(%dma_start3A_23 : memref<128x128xf32, #tpu.memory_space<vmem_shared>>) target_semaphore(%run_scoped3A : memref<!tpu.dma_semaphore, #tpu.memory_space<semaphore_mem>>)
      %dma_wait3A = arith.constant 0 : i32
      %dma_wait3A_24 = tpu.memref_slice %arg13[%add3A_10, %dma_wait3A] : memref<10112x128xf32, #tpu.memory_space<vmem_shared>> -> memref<128x128xf32, #tpu.memory_space<vmem_shared>>
      %dma_wait3A_25 = arith.constant 0 : i32
      %dma_wait3A_26 = tpu.memref_slice %arg13[%add3A_10, %dma_wait3A_25] : memref<10112x128xf32, #tpu.memory_space<vmem_shared>> -> memref<128x128xf32, #tpu.memory_space<vmem_shared>>
      tpu.wait_dma2 semaphore(%run_scoped3A : memref<!tpu.dma_semaphore, #tpu.memory_space<semaphore_mem>>) src(%arg9 : memref<128x128xf32, #tpu.memory_space<vmem>>) dst(%dma_wait3A_26 : memref<128x128xf32, #tpu.memory_space<vmem_shared>>)
      tpu.yield
    }) : () -> ()
    %add3A_11 = arith.constant 512 : i32
    %add3A_12 = arith.addi %mul3A_2, %add3A_11 : i32
    "tpu.region"() ({
      %run_scoped3A = tpu.sem_alloc : memref<!tpu.dma_semaphore, #tpu.memory_space<semaphore_mem>>
      %dma_start3A = arith.constant 0 : i32
      %dma_start3A_21 = arith.constant 0 : i32
      %dma_start3A_22 = tpu.memref_slice %arg9[%dma_start3A, %dma_start3A_21] : memref<128x128xf32, #tpu.memory_space<vmem>> -> memref<120x128xf32, #tpu.memory_space<vmem>>
      %dma_start3A_23 = arith.constant 0 : i32
      %dma_start3A_24 = tpu.memref_slice %arg13[%add3A_12, %dma_start3A_23] : memref<10112x128xf32, #tpu.memory_space<vmem_shared>> -> memref<120x128xf32, #tpu.memory_space<vmem_shared>>
      %dma_start3A_25 = arith.constant 0 : i32
      %dma_start3A_26 = tpu.memref_slice %arg13[%add3A_12, %dma_start3A_25] : memref<10112x128xf32, #tpu.memory_space<vmem_shared>> -> memref<120x128xf32, #tpu.memory_space<vmem_shared>>
      %dma_start3A_27 = arith.constant 0 : i32
      %dma_start3A_28 = arith.constant 0 : i32
      %dma_start3A_29 = tpu.memref_slice %arg9[%dma_start3A_27, %dma_start3A_28] : memref<128x128xf32, #tpu.memory_space<vmem>> -> memref<120x128xf32, #tpu.memory_space<vmem>>
      tpu.enqueue_dma source(%dma_start3A_29 : memref<120x128xf32, #tpu.memory_space<vmem>>) target(%dma_start3A_26 : memref<120x128xf32, #tpu.memory_space<vmem_shared>>) target_semaphore(%run_scoped3A : memref<!tpu.dma_semaphore, #tpu.memory_space<semaphore_mem>>)
      %dma_wait3A = arith.constant 0 : i32
      %dma_wait3A_30 = arith.constant 0 : i32
      %dma_wait3A_31 = tpu.memref_slice %arg9[%dma_wait3A, %dma_wait3A_30] : memref<128x128xf32, #tpu.memory_space<vmem>> -> memref<120x128xf32, #tpu.memory_space<vmem>>
      %dma_wait3A_32 = arith.constant 0 : i32
      %dma_wait3A_33 = tpu.memref_slice %arg13[%add3A_12, %dma_wait3A_32] : memref<10112x128xf32, #tpu.memory_space<vmem_shared>> -> memref<120x128xf32, #tpu.memory_space<vmem_shared>>
      %dma_wait3A_34 = arith.constant 0 : i32
      %dma_wait3A_35 = tpu.memref_slice %arg13[%add3A_12, %dma_wait3A_34] : memref<10112x128xf32, #tpu.memory_space<vmem_shared>> -> memref<120x128xf32, #tpu.memory_space<vmem_shared>>
      %dma_wait3A_36 = arith.constant 0 : i32
      %dma_wait3A_37 = arith.constant 0 : i32
      %dma_wait3A_38 = tpu.memref_slice %arg9[%dma_wait3A_36, %dma_wait3A_37] : memref<128x128xf32, #tpu.memory_space<vmem>> -> memref<120x128xf32, #tpu.memory_space<vmem>>
      tpu.wait_dma2 semaphore(%run_scoped3A : memref<!tpu.dma_semaphore, #tpu.memory_space<semaphore_mem>>) src(%dma_wait3A_38 : memref<120x128xf32, #tpu.memory_space<vmem>>) dst(%dma_wait3A_35 : memref<120x128xf32, #tpu.memory_space<vmem_shared>>)
      tpu.yield
    }) : () -> ()
    %barrier3A = arith.constant 0 : index
    tpu.barrier barrier_id(%barrier3A)
    %mul3A_13 = arith.constant 80 : i32
    %mul3A_14 = arith.muli %add3A, %mul3A_13 : i32
    %scan3A = arith.constant 0 : i32
    %scan3A_15 = arith.constant 0 : i32
    %scan3A_16 = arith.constant 2 : i32
    %scan3A_17 = arith.addi %scan3A_15, %scan3A_16 : i32
    %scan3A_18 = arith.constant 1 : i32
    scf.for %scan3A_21 = %scan3A_15 to %scan3A_17 step %scan3A_18  : i32 {
      %mul3A_22 = arith.constant 40 : i32
      %mul3A_23 = arith.muli %scan3A_21, %mul3A_22 : i32
      %add3A_24 = arith.addi %mul3A_14, %mul3A_23 : i32
      "tpu.region"() ({
        %run_scoped3A = tpu.sem_alloc : memref<!tpu.dma_semaphore, #tpu.memory_space<semaphore_mem>>
        %dma_start3A_37 = arith.constant 0 : i32
        %dma_start3A_38 = tpu.memref_slice %arg3[%add3A_24, %dma_start3A_37] : memref<2560x128xi32, #tpu.memory_space<hbm>> -> memref<40x128xi32, #tpu.memory_space<hbm>>
        %dma_start3A_39 = arith.constant 0 : i32
        %dma_start3A_40 = tpu.memref_slice %arg3[%add3A_24, %dma_start3A_39] : memref<2560x128xi32, #tpu.memory_space<hbm>> -> memref<40x128xi32, #tpu.memory_space<hbm>>
        tpu.enqueue_dma source(%dma_start3A_40 : memref<40x128xi32, #tpu.memory_space<hbm>>) target(%arg7 : memref<40x128xi32, #tpu.memory_space<vmem>>) target_semaphore(%run_scoped3A : memref<!tpu.dma_semaphore, #tpu.memory_space<semaphore_mem>>)
        %dma_wait3A = arith.constant 0 : i32
        %dma_wait3A_41 = tpu.memref_slice %arg3[%add3A_24, %dma_wait3A] : memref<2560x128xi32, #tpu.memory_space<hbm>> -> memref<40x128xi32, #tpu.memory_space<hbm>>
        %dma_wait3A_42 = arith.constant 0 : i32
        %dma_wait3A_43 = tpu.memref_slice %arg3[%add3A_24, %dma_wait3A_42] : memref<2560x128xi32, #tpu.memory_space<hbm>> -> memref<40x128xi32, #tpu.memory_space<hbm>>
        tpu.wait_dma2 semaphore(%run_scoped3A : memref<!tpu.dma_semaphore, #tpu.memory_space<semaphore_mem>>) src(%dma_wait3A_43 : memref<40x128xi32, #tpu.memory_space<hbm>>) dst(%arg7 : memref<40x128xi32, #tpu.memory_space<vmem>>)
        tpu.yield
      }) : () -> ()
      "tpu.region"() ({
        %run_scoped3A = tpu.sem_alloc : memref<!tpu.dma_semaphore, #tpu.memory_space<semaphore_mem>>
        %dma_start3A_37 = arith.constant 0 : i32
        %dma_start3A_38 = tpu.memref_slice %arg4[%add3A_24, %dma_start3A_37] : memref<2560x128xi32, #tpu.memory_space<hbm>> -> memref<40x128xi32, #tpu.memory_space<hbm>>
        %dma_start3A_39 = arith.constant 0 : i32
        %dma_start3A_40 = tpu.memref_slice %arg4[%add3A_24, %dma_start3A_39] : memref<2560x128xi32, #tpu.memory_space<hbm>> -> memref<40x128xi32, #tpu.memory_space<hbm>>
        tpu.enqueue_dma source(%dma_start3A_40 : memref<40x128xi32, #tpu.memory_space<hbm>>) target(%arg8 : memref<40x128xi32, #tpu.memory_space<vmem>>) target_semaphore(%run_scoped3A : memref<!tpu.dma_semaphore, #tpu.memory_space<semaphore_mem>>)
        %dma_wait3A = arith.constant 0 : i32
        %dma_wait3A_41 = tpu.memref_slice %arg4[%add3A_24, %dma_wait3A] : memref<2560x128xi32, #tpu.memory_space<hbm>> -> memref<40x128xi32, #tpu.memory_space<hbm>>
        %dma_wait3A_42 = arith.constant 0 : i32
        %dma_wait3A_43 = tpu.memref_slice %arg4[%add3A_24, %dma_wait3A_42] : memref<2560x128xi32, #tpu.memory_space<hbm>> -> memref<40x128xi32, #tpu.memory_space<hbm>>
        tpu.wait_dma2 semaphore(%run_scoped3A : memref<!tpu.dma_semaphore, #tpu.memory_space<semaphore_mem>>) src(%dma_wait3A_43 : memref<40x128xi32, #tpu.memory_space<hbm>>) dst(%arg8 : memref<40x128xi32, #tpu.memory_space<vmem>>)
        tpu.yield
      }) : () -> ()
      %dma_start3A = arith.constant 0 : i32
      %dma_start3A_25 = arith.constant 0 : i32
      %dma_start3A_26 = tpu.memref_slice %arg7[%dma_start3A, %dma_start3A_25] : memref<40x128xi32, #tpu.memory_space<vmem>> -> memref<1x128xi32, #tpu.memory_space<vmem>>
      %dma_start3A_27 = tpu.memref_squeeze %dma_start3A_26 : memref<1x128xi32, #tpu.memory_space<vmem>> -> memref<128xi32, #tpu.memory_space<vmem>>
      %dma_start3A_28 = arith.constant 0 : i32
      %dma_start3A_29 = arith.constant 0 : i32
      %dma_start3A_30 = tpu.memref_slice %arg2[%dma_start3A_28, %dma_start3A_29] : memref<10000x128xf32, #tpu.memory_space<hbm>> -> memref<10000x128xf32, #tpu.memory_space<hbm>>
      tpu.enqueue_indirect_dma source(%dma_start3A_30 : memref<10000x128xf32, #tpu.memory_space<hbm>>) target(%arg9 : memref<128x128xf32, #tpu.memory_space<vmem>>) offsets(%dma_start3A_27 : memref<128xi32, #tpu.memory_space<vmem>>) semaphore(%arg11 : memref<!tpu.dma_semaphore, #tpu.memory_space<semaphore_mem>>)
      %scan3A_31 = arith.constant 0 : i32
      %scan3A_32 = arith.constant 0 : i32
      %scan3A_33 = arith.constant 20 : i32
      %scan3A_34 = arith.addi %scan3A_32, %scan3A_33 : i32
      %scan3A_35 = arith.constant 1 : i32
      scf.for %scan3A_37 = %scan3A_32 to %scan3A_34 step %scan3A_35  : i32 {
        %mul3A_38 = arith.constant 2 : i32
        %mul3A_39 = arith.muli %scan3A_37, %mul3A_38 : i32
        %add3A_40 = arith.constant 1 : i32
        %add3A_41 = arith.addi %mul3A_39, %add3A_40 : i32
        %dma_start3A_42 = arith.constant 0 : i32
        %dma_start3A_43 = tpu.memref_slice %arg7[%add3A_41, %dma_start3A_42] : memref<40x128xi32, #tpu.memory_space<vmem>> -> memref<1x128xi32, #tpu.memory_space<vmem>>
        %dma_start3A_44 = tpu.memref_squeeze %dma_start3A_43 : memref<1x128xi32, #tpu.memory_space<vmem>> -> memref<128xi32, #tpu.memory_space<vmem>>
        %dma_start3A_45 = arith.constant 0 : i32
        %dma_start3A_46 = arith.constant 0 : i32
        %dma_start3A_47 = tpu.memref_slice %arg2[%dma_start3A_45, %dma_start3A_46] : memref<10000x128xf32, #tpu.memory_space<hbm>> -> memref<10000x128xf32, #tpu.memory_space<hbm>>
        tpu.enqueue_indirect_dma source(%dma_start3A_47 : memref<10000x128xf32, #tpu.memory_space<hbm>>) target(%arg10 : memref<128x128xf32, #tpu.memory_space<vmem>>) offsets(%dma_start3A_44 : memref<128xi32, #tpu.memory_space<vmem>>) semaphore(%arg12 : memref<!tpu.dma_semaphore, #tpu.memory_space<semaphore_mem>>)
        %dma_wait3A = arith.constant 0 : i32
        %dma_wait3A_48 = tpu.memref_slice %arg7[%mul3A_39, %dma_wait3A] : memref<40x128xi32, #tpu.memory_space<vmem>> -> memref<1x128xi32, #tpu.memory_space<vmem>>
        %dma_wait3A_49 = tpu.memref_squeeze %dma_wait3A_48 : memref<1x128xi32, #tpu.memory_space<vmem>> -> memref<128xi32, #tpu.memory_space<vmem>>
        %dma_wait3A_50 = arith.constant 0 : i32
        %dma_wait3A_51 = arith.constant 0 : i32
        %dma_wait3A_52 = tpu.memref_slice %arg2[%dma_wait3A_50, %dma_wait3A_51] : memref<10000x128xf32, #tpu.memory_space<hbm>> -> memref<10000x128xf32, #tpu.memory_space<hbm>>
        tpu.wait_indirect_dma semaphore(%arg11 : memref<!tpu.dma_semaphore, #tpu.memory_space<semaphore_mem>>) src(%dma_wait3A_52 : memref<10000x128xf32, #tpu.memory_space<hbm>>) dst(%arg9 : memref<128x128xf32, #tpu.memory_space<vmem>>)
        "tpu.region"() ({
          %run_scoped3A = tpu.sem_alloc : memref<!tpu.dma_semaphore, #tpu.memory_space<semaphore_mem>>
          %dma_start3A_67 = arith.constant 0 : i32
          %dma_start3A_68 = tpu.memref_slice %arg8[%mul3A_39, %dma_start3A_67] : memref<40x128xi32, #tpu.memory_space<vmem>> -> memref<1x128xi32, #tpu.memory_space<vmem>>
          %dma_start3A_69 = tpu.memref_squeeze %dma_start3A_68 : memref<1x128xi32, #tpu.memory_space<vmem>> -> memref<128xi32, #tpu.memory_space<vmem>>
          %dma_start3A_70 = arith.constant 0 : i32
          %dma_start3A_71 = arith.constant 0 : i32
          %dma_start3A_72 = tpu.memref_slice %arg13[%dma_start3A_70, %dma_start3A_71] : memref<10112x128xf32, #tpu.memory_space<vmem_shared>> -> memref<10112x128xf32, #tpu.memory_space<vmem_shared>>
          tpu.enqueue_indirect_dma source(%arg9 : memref<128x128xf32, #tpu.memory_space<vmem>>) target(%dma_start3A_72 : memref<10112x128xf32, #tpu.memory_space<vmem_shared>>) offsets(%dma_start3A_69 : memref<128xi32, #tpu.memory_space<vmem>>) semaphore(%run_scoped3A : memref<!tpu.dma_semaphore, #tpu.memory_space<semaphore_mem>>) {add = true}
          %dma_wait3A_73 = arith.constant 0 : i32
          %dma_wait3A_74 = tpu.memref_slice %arg8[%mul3A_39, %dma_wait3A_73] : memref<40x128xi32, #tpu.memory_space<vmem>> -> memref<1x128xi32, #tpu.memory_space<vmem>>
          %dma_wait3A_75 = tpu.memref_squeeze %dma_wait3A_74 : memref<1x128xi32, #tpu.memory_space<vmem>> -> memref<128xi32, #tpu.memory_space<vmem>>
          %dma_wait3A_76 = arith.constant 0 : i32
          %dma_wait3A_77 = arith.constant 0 : i32
          %dma_wait3A_78 = tpu.memref_slice %arg13[%dma_wait3A_76, %dma_wait3A_77] : memref<10112x128xf32, #tpu.memory_space<vmem_shared>> -> memref<10112x128xf32, #tpu.memory_space<vmem_shared>>
          tpu.wait_indirect_dma semaphore(%run_scoped3A : memref<!tpu.dma_semaphore, #tpu.memory_space<semaphore_mem>>) src(%arg9 : memref<128x128xf32, #tpu.memory_space<vmem>>) dst(%dma_wait3A_78 : memref<10112x128xf32, #tpu.memory_space<vmem_shared>>)
          tpu.yield
        }) : () -> ()
        %add3A_53 = arith.constant 2 : i32
        %add3A_54 = arith.addi %mul3A_39, %add3A_53 : i32
        %lt3A = arith.constant 40 : i32
        %lt3A_55 = arith.cmpi slt, %add3A_54, %lt3A : i32
        %convert_element_type3A = arith.extui %lt3A_55 : i1 to i32
        %cond3A = arith.constant 0 : i32
        %cond3A_56 = arith.cmpi ne, %convert_element_type3A, %cond3A : i32
        scf.if %cond3A_56 {
          %add3A_67 = arith.constant 2 : i32
          %add3A_68 = arith.addi %mul3A_39, %add3A_67 : i32
          %dma_start3A_69 = arith.constant 0 : i32
          %dma_start3A_70 = tpu.memref_slice %arg7[%add3A_68, %dma_start3A_69] : memref<40x128xi32, #tpu.memory_space<vmem>> -> memref<1x128xi32, #tpu.memory_space<vmem>>
          %dma_start3A_71 = tpu.memref_squeeze %dma_start3A_70 : memref<1x128xi32, #tpu.memory_space<vmem>> -> memref<128xi32, #tpu.memory_space<vmem>>
          %dma_start3A_72 = arith.constant 0 : i32
          %dma_start3A_73 = arith.constant 0 : i32
          %dma_start3A_74 = tpu.memref_slice %arg2[%dma_start3A_72, %dma_start3A_73] : memref<10000x128xf32, #tpu.memory_space<hbm>> -> memref<10000x128xf32, #tpu.memory_space<hbm>>
          tpu.enqueue_indirect_dma source(%dma_start3A_74 : memref<10000x128xf32, #tpu.memory_space<hbm>>) target(%arg9 : memref<128x128xf32, #tpu.memory_space<vmem>>) offsets(%dma_start3A_71 : memref<128xi32, #tpu.memory_space<vmem>>) semaphore(%arg11 : memref<!tpu.dma_semaphore, #tpu.memory_space<semaphore_mem>>)
        } else {
        }
        %add3A_57 = arith.constant 1 : i32
        %add3A_58 = arith.addi %mul3A_39, %add3A_57 : i32
        %dma_wait3A_59 = arith.constant 0 : i32
        %dma_wait3A_60 = tpu.memref_slice %arg7[%add3A_58, %dma_wait3A_59] : memref<40x128xi32, #tpu.memory_space<vmem>> -> memref<1x128xi32, #tpu.memory_space<vmem>>
        %dma_wait3A_61 = tpu.memref_squeeze %dma_wait3A_60 : memref<1x128xi32, #tpu.memory_space<vmem>> -> memref<128xi32, #tpu.memory_space<vmem>>
        %dma_wait3A_62 = arith.constant 0 : i32
        %dma_wait3A_63 = arith.constant 0 : i32
        %dma_wait3A_64 = tpu.memref_slice %arg2[%dma_wait3A_62, %dma_wait3A_63] : memref<10000x128xf32, #tpu.memory_space<hbm>> -> memref<10000x128xf32, #tpu.memory_space<hbm>>
        tpu.wait_indirect_dma semaphore(%arg12 : memref<!tpu.dma_semaphore, #tpu.memory_space<semaphore_mem>>) src(%dma_wait3A_64 : memref<10000x128xf32, #tpu.memory_space<hbm>>) dst(%arg10 : memref<128x128xf32, #tpu.memory_space<vmem>>)
        %add3A_65 = arith.constant 1 : i32
        %add3A_66 = arith.addi %mul3A_39, %add3A_65 : i32
        "tpu.region"() ({
          %run_scoped3A = tpu.sem_alloc : memref<!tpu.dma_semaphore, #tpu.memory_space<semaphore_mem>>
          %dma_start3A_67 = arith.constant 0 : i32
          %dma_start3A_68 = tpu.memref_slice %arg8[%add3A_66, %dma_start3A_67] : memref<40x128xi32, #tpu.memory_space<vmem>> -> memref<1x128xi32, #tpu.memory_space<vmem>>
          %dma_start3A_69 = tpu.memref_squeeze %dma_start3A_68 : memref<1x128xi32, #tpu.memory_space<vmem>> -> memref<128xi32, #tpu.memory_space<vmem>>
          %dma_start3A_70 = arith.constant 0 : i32
          %dma_start3A_71 = arith.constant 0 : i32
          %dma_start3A_72 = tpu.memref_slice %arg13[%dma_start3A_70, %dma_start3A_71] : memref<10112x128xf32, #tpu.memory_space<vmem_shared>> -> memref<10112x128xf32, #tpu.memory_space<vmem_shared>>
          tpu.enqueue_indirect_dma source(%arg10 : memref<128x128xf32, #tpu.memory_space<vmem>>) target(%dma_start3A_72 : memref<10112x128xf32, #tpu.memory_space<vmem_shared>>) offsets(%dma_start3A_69 : memref<128xi32, #tpu.memory_space<vmem>>) semaphore(%run_scoped3A : memref<!tpu.dma_semaphore, #tpu.memory_space<semaphore_mem>>) {add = true}
          %dma_wait3A_73 = arith.constant 0 : i32
          %dma_wait3A_74 = tpu.memref_slice %arg8[%add3A_66, %dma_wait3A_73] : memref<40x128xi32, #tpu.memory_space<vmem>> -> memref<1x128xi32, #tpu.memory_space<vmem>>
          %dma_wait3A_75 = tpu.memref_squeeze %dma_wait3A_74 : memref<1x128xi32, #tpu.memory_space<vmem>> -> memref<128xi32, #tpu.memory_space<vmem>>
          %dma_wait3A_76 = arith.constant 0 : i32
          %dma_wait3A_77 = arith.constant 0 : i32
          %dma_wait3A_78 = tpu.memref_slice %arg13[%dma_wait3A_76, %dma_wait3A_77] : memref<10112x128xf32, #tpu.memory_space<vmem_shared>> -> memref<10112x128xf32, #tpu.memory_space<vmem_shared>>
          tpu.wait_indirect_dma semaphore(%run_scoped3A : memref<!tpu.dma_semaphore, #tpu.memory_space<semaphore_mem>>) src(%arg10 : memref<128x128xf32, #tpu.memory_space<vmem>>) dst(%dma_wait3A_78 : memref<10112x128xf32, #tpu.memory_space<vmem_shared>>)
          tpu.yield
        }) : () -> ()
      }
      %scan3A_36 = arith.constant 20 : i32
    }
    %scan3A_19 = arith.constant 2 : i32
    %barrier3A_20 = arith.constant 0 : index
    tpu.barrier barrier_id(%barrier3A_20)
    "tpu.region"() ({
      %run_scoped3A = tpu.sem_alloc : memref<!tpu.dma_semaphore, #tpu.memory_space<semaphore_mem>>
      %dma_start3A = arith.constant 0 : i32
      %dma_start3A_21 = tpu.memref_slice %arg6[%arg0, %mul3A_2, %dma_start3A] : memref<2x10112x128xf32, #tpu.memory_space<hbm>> -> memref<1x632x128xf32, #tpu.memory_space<hbm>>
      %dma_start3A_22 = tpu.memref_squeeze %dma_start3A_21 : memref<1x632x128xf32, #tpu.memory_space<hbm>> -> memref<632x128xf32, #tpu.memory_space<hbm>>
      %dma_start3A_23 = arith.constant 0 : i32
      %dma_start3A_24 = tpu.memref_slice %arg13[%mul3A_2, %dma_start3A_23] : memref<10112x128xf32, #tpu.memory_space<vmem_shared>> -> memref<632x128xf32, #tpu.memory_space<vmem_shared>>
      tpu.enqueue_dma source(%dma_start3A_24 : memref<632x128xf32, #tpu.memory_space<vmem_shared>>) target(%dma_start3A_22 : memref<632x128xf32, #tpu.memory_space<hbm>>) target_semaphore(%run_scoped3A : memref<!tpu.dma_semaphore, #tpu.memory_space<semaphore_mem>>)
      %dma_wait3A = arith.constant 0 : i32
      %dma_wait3A_25 = tpu.memref_slice %arg6[%arg0, %mul3A_2, %dma_wait3A] : memref<2x10112x128xf32, #tpu.memory_space<hbm>> -> memref<1x632x128xf32, #tpu.memory_space<hbm>>
      %dma_wait3A_26 = tpu.memref_squeeze %dma_wait3A_25 : memref<1x632x128xf32, #tpu.memory_space<hbm>> -> memref<632x128xf32, #tpu.memory_space<hbm>>
      %dma_wait3A_27 = arith.constant 0 : i32
      %dma_wait3A_28 = tpu.memref_slice %arg13[%mul3A_2, %dma_wait3A_27] : memref<10112x128xf32, #tpu.memory_space<vmem_shared>> -> memref<632x128xf32, #tpu.memory_space<vmem_shared>>
      tpu.wait_dma2 semaphore(%run_scoped3A : memref<!tpu.dma_semaphore, #tpu.memory_space<semaphore_mem>>) src(%dma_wait3A_28 : memref<632x128xf32, #tpu.memory_space<vmem_shared>>) dst(%dma_wait3A_26 : memref<632x128xf32, #tpu.memory_space<hbm>>)
      tpu.yield
    }) : () -> ()
    return
  }
}

#map = affine_map<(d0, d1) -> (0, 0)>
#map1 = affine_map<(d0, d1) -> (0, 0, 0)>
module attributes {stable_mosaic.version = 14 : i64} {
  func.func @edge_pass(%arg0: i32, %arg1: i32, %arg2: memref<10000x128xf32, #tpu.memory_space<hbm>>, %arg3: memref<2560x128xi32, #tpu.memory_space<hbm>>, %arg4: memref<2560x128xi32, #tpu.memory_space<hbm>>, %arg5: memref<128x128xf32, #tpu.memory_space<hbm>>, %arg6: memref<2x10112x128xf32, #tpu.memory_space<hbm>>, %arg7: memref<40x128xi32, #tpu.memory_space<vmem>>, %arg8: memref<40x128xi32, #tpu.memory_space<vmem>>, %arg9: memref<128x128xf32, #tpu.memory_space<vmem>>, %arg10: memref<128x128xf32, #tpu.memory_space<vmem>>, %arg11: memref<!tpu.dma_semaphore, #tpu.memory_space<semaphore_mem>>, %arg12: memref<!tpu.dma_semaphore, #tpu.memory_space<semaphore_mem>>, %arg13: memref<10112x128xf32, #tpu.memory_space<vmem_shared>>) attributes {dimension_semantics = [#tpu.dimension_semantics<core_parallel>, #tpu.dimension_semantics<subcore_parallel>], iteration_bounds = array<i64: 2, 16>, scalar_prefetch = 0 : i64, scratch_operands = 7 : i64, tpu.core_type = #tpu.core_type<sc_vector_subcore>, window_params = [{transform_indices = #map}, {transform_indices = #map}, {transform_indices = #map}, {transform_indices = #map}, {transform_indices = #map1}]} {
    %mul3A = arith.constant 2 : i32
    %mul3A_0 = arith.muli %arg1, %mul3A : i32
    %add3A = arith.addi %mul3A_0, %arg0 : i32
    %mul3A_1 = arith.constant 632 : i32
    %mul3A_2 = arith.muli %arg1, %mul3A_1 : i32
    "tpu.region"() ({
      %run_scoped3A = tpu.sem_alloc : memref<!tpu.dma_semaphore, #tpu.memory_space<semaphore_mem>>
      tpu.enqueue_dma source(%arg5 : memref<128x128xf32, #tpu.memory_space<hbm>>) target(%arg9 : memref<128x128xf32, #tpu.memory_space<vmem>>) target_semaphore(%run_scoped3A : memref<!tpu.dma_semaphore, #tpu.memory_space<semaphore_mem>>)
      tpu.wait_dma2 semaphore(%run_scoped3A : memref<!tpu.dma_semaphore, #tpu.memory_space<semaphore_mem>>) src(%arg5 : memref<128x128xf32, #tpu.memory_space<hbm>>) dst(%arg9 : memref<128x128xf32, #tpu.memory_space<vmem>>)
      tpu.yield
    }) : () -> ()
    %add3A_3 = arith.constant 0 : i32
    %add3A_4 = arith.addi %mul3A_2, %add3A_3 : i32
    "tpu.region"() ({
      %run_scoped3A = tpu.sem_alloc : memref<!tpu.dma_semaphore, #tpu.memory_space<semaphore_mem>>
      %dma_start3A = arith.constant 0 : i32
      %dma_start3A_21 = tpu.memref_slice %arg13[%add3A_4, %dma_start3A] : memref<10112x128xf32, #tpu.memory_space<vmem_shared>> -> memref<128x128xf32, #tpu.memory_space<vmem_shared>>
      %dma_start3A_22 = arith.constant 0 : i32
      %dma_start3A_23 = tpu.memref_slice %arg13[%add3A_4, %dma_start3A_22] : memref<10112x128xf32, #tpu.memory_space<vmem_shared>> -> memref<128x128xf32, #tpu.memory_space<vmem_shared>>
      tpu.enqueue_dma source(%arg9 : memref<128x128xf32, #tpu.memory_space<vmem>>) target(%dma_start3A_23 : memref<128x128xf32, #tpu.memory_space<vmem_shared>>) target_semaphore(%run_scoped3A : memref<!tpu.dma_semaphore, #tpu.memory_space<semaphore_mem>>)
      %dma_wait3A = arith.constant 0 : i32
      %dma_wait3A_24 = tpu.memref_slice %arg13[%add3A_4, %dma_wait3A] : memref<10112x128xf32, #tpu.memory_space<vmem_shared>> -> memref<128x128xf32, #tpu.memory_space<vmem_shared>>
      %dma_wait3A_25 = arith.constant 0 : i32
      %dma_wait3A_26 = tpu.memref_slice %arg13[%add3A_4, %dma_wait3A_25] : memref<10112x128xf32, #tpu.memory_space<vmem_shared>> -> memref<128x128xf32, #tpu.memory_space<vmem_shared>>
      tpu.wait_dma2 semaphore(%run_scoped3A : memref<!tpu.dma_semaphore, #tpu.memory_space<semaphore_mem>>) src(%arg9 : memref<128x128xf32, #tpu.memory_space<vmem>>) dst(%dma_wait3A_26 : memref<128x128xf32, #tpu.memory_space<vmem_shared>>)
      tpu.yield
    }) : () -> ()
    %add3A_5 = arith.constant 128 : i32
    %add3A_6 = arith.addi %mul3A_2, %add3A_5 : i32
    "tpu.region"() ({
      %run_scoped3A = tpu.sem_alloc : memref<!tpu.dma_semaphore, #tpu.memory_space<semaphore_mem>>
      %dma_start3A = arith.constant 0 : i32
      %dma_start3A_21 = tpu.memref_slice %arg13[%add3A_6, %dma_start3A] : memref<10112x128xf32, #tpu.memory_space<vmem_shared>> -> memref<128x128xf32, #tpu.memory_space<vmem_shared>>
      %dma_start3A_22 = arith.constant 0 : i32
      %dma_start3A_23 = tpu.memref_slice %arg13[%add3A_6, %dma_start3A_22] : memref<10112x128xf32, #tpu.memory_space<vmem_shared>> -> memref<128x128xf32, #tpu.memory_space<vmem_shared>>
      tpu.enqueue_dma source(%arg9 : memref<128x128xf32, #tpu.memory_space<vmem>>) target(%dma_start3A_23 : memref<128x128xf32, #tpu.memory_space<vmem_shared>>) target_semaphore(%run_scoped3A : memref<!tpu.dma_semaphore, #tpu.memory_space<semaphore_mem>>)
      %dma_wait3A = arith.constant 0 : i32
      %dma_wait3A_24 = tpu.memref_slice %arg13[%add3A_6, %dma_wait3A] : memref<10112x128xf32, #tpu.memory_space<vmem_shared>> -> memref<128x128xf32, #tpu.memory_space<vmem_shared>>
      %dma_wait3A_25 = arith.constant 0 : i32
      %dma_wait3A_26 = tpu.memref_slice %arg13[%add3A_6, %dma_wait3A_25] : memref<10112x128xf32, #tpu.memory_space<vmem_shared>> -> memref<128x128xf32, #tpu.memory_space<vmem_shared>>
      tpu.wait_dma2 semaphore(%run_scoped3A : memref<!tpu.dma_semaphore, #tpu.memory_space<semaphore_mem>>) src(%arg9 : memref<128x128xf32, #tpu.memory_space<vmem>>) dst(%dma_wait3A_26 : memref<128x128xf32, #tpu.memory_space<vmem_shared>>)
      tpu.yield
    }) : () -> ()
    %add3A_7 = arith.constant 256 : i32
    %add3A_8 = arith.addi %mul3A_2, %add3A_7 : i32
    "tpu.region"() ({
      %run_scoped3A = tpu.sem_alloc : memref<!tpu.dma_semaphore, #tpu.memory_space<semaphore_mem>>
      %dma_start3A = arith.constant 0 : i32
      %dma_start3A_21 = tpu.memref_slice %arg13[%add3A_8, %dma_start3A] : memref<10112x128xf32, #tpu.memory_space<vmem_shared>> -> memref<128x128xf32, #tpu.memory_space<vmem_shared>>
      %dma_start3A_22 = arith.constant 0 : i32
      %dma_start3A_23 = tpu.memref_slice %arg13[%add3A_8, %dma_start3A_22] : memref<10112x128xf32, #tpu.memory_space<vmem_shared>> -> memref<128x128xf32, #tpu.memory_space<vmem_shared>>
      tpu.enqueue_dma source(%arg9 : memref<128x128xf32, #tpu.memory_space<vmem>>) target(%dma_start3A_23 : memref<128x128xf32, #tpu.memory_space<vmem_shared>>) target_semaphore(%run_scoped3A : memref<!tpu.dma_semaphore, #tpu.memory_space<semaphore_mem>>)
      %dma_wait3A = arith.constant 0 : i32
      %dma_wait3A_24 = tpu.memref_slice %arg13[%add3A_8, %dma_wait3A] : memref<10112x128xf32, #tpu.memory_space<vmem_shared>> -> memref<128x128xf32, #tpu.memory_space<vmem_shared>>
      %dma_wait3A_25 = arith.constant 0 : i32
      %dma_wait3A_26 = tpu.memref_slice %arg13[%add3A_8, %dma_wait3A_25] : memref<10112x128xf32, #tpu.memory_space<vmem_shared>> -> memref<128x128xf32, #tpu.memory_space<vmem_shared>>
      tpu.wait_dma2 semaphore(%run_scoped3A : memref<!tpu.dma_semaphore, #tpu.memory_space<semaphore_mem>>) src(%arg9 : memref<128x128xf32, #tpu.memory_space<vmem>>) dst(%dma_wait3A_26 : memref<128x128xf32, #tpu.memory_space<vmem_shared>>)
      tpu.yield
    }) : () -> ()
    %add3A_9 = arith.constant 384 : i32
    %add3A_10 = arith.addi %mul3A_2, %add3A_9 : i32
    "tpu.region"() ({
      %run_scoped3A = tpu.sem_alloc : memref<!tpu.dma_semaphore, #tpu.memory_space<semaphore_mem>>
      %dma_start3A = arith.constant 0 : i32
      %dma_start3A_21 = tpu.memref_slice %arg13[%add3A_10, %dma_start3A] : memref<10112x128xf32, #tpu.memory_space<vmem_shared>> -> memref<128x128xf32, #tpu.memory_space<vmem_shared>>
      %dma_start3A_22 = arith.constant 0 : i32
      %dma_start3A_23 = tpu.memref_slice %arg13[%add3A_10, %dma_start3A_22] : memref<10112x128xf32, #tpu.memory_space<vmem_shared>> -> memref<128x128xf32, #tpu.memory_space<vmem_shared>>
      tpu.enqueue_dma source(%arg9 : memref<128x128xf32, #tpu.memory_space<vmem>>) target(%dma_start3A_23 : memref<128x128xf32, #tpu.memory_space<vmem_shared>>) target_semaphore(%run_scoped3A : memref<!tpu.dma_semaphore, #tpu.memory_space<semaphore_mem>>)
      %dma_wait3A = arith.constant 0 : i32
      %dma_wait3A_24 = tpu.memref_slice %arg13[%add3A_10, %dma_wait3A] : memref<10112x128xf32, #tpu.memory_space<vmem_shared>> -> memref<128x128xf32, #tpu.memory_space<vmem_shared>>
      %dma_wait3A_25 = arith.constant 0 : i32
      %dma_wait3A_26 = tpu.memref_slice %arg13[%add3A_10, %dma_wait3A_25] : memref<10112x128xf32, #tpu.memory_space<vmem_shared>> -> memref<128x128xf32, #tpu.memory_space<vmem_shared>>
      tpu.wait_dma2 semaphore(%run_scoped3A : memref<!tpu.dma_semaphore, #tpu.memory_space<semaphore_mem>>) src(%arg9 : memref<128x128xf32, #tpu.memory_space<vmem>>) dst(%dma_wait3A_26 : memref<128x128xf32, #tpu.memory_space<vmem_shared>>)
      tpu.yield
    }) : () -> ()
    %add3A_11 = arith.constant 512 : i32
    %add3A_12 = arith.addi %mul3A_2, %add3A_11 : i32
    "tpu.region"() ({
      %run_scoped3A = tpu.sem_alloc : memref<!tpu.dma_semaphore, #tpu.memory_space<semaphore_mem>>
      %dma_start3A = arith.constant 0 : i32
      %dma_start3A_21 = arith.constant 0 : i32
      %dma_start3A_22 = tpu.memref_slice %arg9[%dma_start3A, %dma_start3A_21] : memref<128x128xf32, #tpu.memory_space<vmem>> -> memref<120x128xf32, #tpu.memory_space<vmem>>
      %dma_start3A_23 = arith.constant 0 : i32
      %dma_start3A_24 = tpu.memref_slice %arg13[%add3A_12, %dma_start3A_23] : memref<10112x128xf32, #tpu.memory_space<vmem_shared>> -> memref<120x128xf32, #tpu.memory_space<vmem_shared>>
      %dma_start3A_25 = arith.constant 0 : i32
      %dma_start3A_26 = tpu.memref_slice %arg13[%add3A_12, %dma_start3A_25] : memref<10112x128xf32, #tpu.memory_space<vmem_shared>> -> memref<120x128xf32, #tpu.memory_space<vmem_shared>>
      %dma_start3A_27 = arith.constant 0 : i32
      %dma_start3A_28 = arith.constant 0 : i32
      %dma_start3A_29 = tpu.memref_slice %arg9[%dma_start3A_27, %dma_start3A_28] : memref<128x128xf32, #tpu.memory_space<vmem>> -> memref<120x128xf32, #tpu.memory_space<vmem>>
      tpu.enqueue_dma source(%dma_start3A_29 : memref<120x128xf32, #tpu.memory_space<vmem>>) target(%dma_start3A_26 : memref<120x128xf32, #tpu.memory_space<vmem_shared>>) target_semaphore(%run_scoped3A : memref<!tpu.dma_semaphore, #tpu.memory_space<semaphore_mem>>)
      %dma_wait3A = arith.constant 0 : i32
      %dma_wait3A_30 = arith.constant 0 : i32
      %dma_wait3A_31 = tpu.memref_slice %arg9[%dma_wait3A, %dma_wait3A_30] : memref<128x128xf32, #tpu.memory_space<vmem>> -> memref<120x128xf32, #tpu.memory_space<vmem>>
      %dma_wait3A_32 = arith.constant 0 : i32
      %dma_wait3A_33 = tpu.memref_slice %arg13[%add3A_12, %dma_wait3A_32] : memref<10112x128xf32, #tpu.memory_space<vmem_shared>> -> memref<120x128xf32, #tpu.memory_space<vmem_shared>>
      %dma_wait3A_34 = arith.constant 0 : i32
      %dma_wait3A_35 = tpu.memref_slice %arg13[%add3A_12, %dma_wait3A_34] : memref<10112x128xf32, #tpu.memory_space<vmem_shared>> -> memref<120x128xf32, #tpu.memory_space<vmem_shared>>
      %dma_wait3A_36 = arith.constant 0 : i32
      %dma_wait3A_37 = arith.constant 0 : i32
      %dma_wait3A_38 = tpu.memref_slice %arg9[%dma_wait3A_36, %dma_wait3A_37] : memref<128x128xf32, #tpu.memory_space<vmem>> -> memref<120x128xf32, #tpu.memory_space<vmem>>
      tpu.wait_dma2 semaphore(%run_scoped3A : memref<!tpu.dma_semaphore, #tpu.memory_space<semaphore_mem>>) src(%dma_wait3A_38 : memref<120x128xf32, #tpu.memory_space<vmem>>) dst(%dma_wait3A_35 : memref<120x128xf32, #tpu.memory_space<vmem_shared>>)
      tpu.yield
    }) : () -> ()
    %barrier3A = arith.constant 0 : index
    tpu.barrier barrier_id(%barrier3A)
    %mul3A_13 = arith.constant 80 : i32
    %mul3A_14 = arith.muli %add3A, %mul3A_13 : i32
    %scan3A = arith.constant 0 : i32
    %scan3A_15 = arith.constant 0 : i32
    %scan3A_16 = arith.constant 2 : i32
    %scan3A_17 = arith.addi %scan3A_15, %scan3A_16 : i32
    %scan3A_18 = arith.constant 1 : i32
    scf.for %scan3A_21 = %scan3A_15 to %scan3A_17 step %scan3A_18  : i32 {
      %mul3A_22 = arith.constant 40 : i32
      %mul3A_23 = arith.muli %scan3A_21, %mul3A_22 : i32
      %add3A_24 = arith.addi %mul3A_14, %mul3A_23 : i32
      "tpu.region"() ({
        %run_scoped3A = tpu.sem_alloc : memref<!tpu.dma_semaphore, #tpu.memory_space<semaphore_mem>>
        %dma_start3A_37 = arith.constant 0 : i32
        %dma_start3A_38 = tpu.memref_slice %arg3[%add3A_24, %dma_start3A_37] : memref<2560x128xi32, #tpu.memory_space<hbm>> -> memref<40x128xi32, #tpu.memory_space<hbm>>
        %dma_start3A_39 = arith.constant 0 : i32
        %dma_start3A_40 = tpu.memref_slice %arg3[%add3A_24, %dma_start3A_39] : memref<2560x128xi32, #tpu.memory_space<hbm>> -> memref<40x128xi32, #tpu.memory_space<hbm>>
        tpu.enqueue_dma source(%dma_start3A_40 : memref<40x128xi32, #tpu.memory_space<hbm>>) target(%arg7 : memref<40x128xi32, #tpu.memory_space<vmem>>) target_semaphore(%run_scoped3A : memref<!tpu.dma_semaphore, #tpu.memory_space<semaphore_mem>>)
        %dma_wait3A = arith.constant 0 : i32
        %dma_wait3A_41 = tpu.memref_slice %arg3[%add3A_24, %dma_wait3A] : memref<2560x128xi32, #tpu.memory_space<hbm>> -> memref<40x128xi32, #tpu.memory_space<hbm>>
        %dma_wait3A_42 = arith.constant 0 : i32
        %dma_wait3A_43 = tpu.memref_slice %arg3[%add3A_24, %dma_wait3A_42] : memref<2560x128xi32, #tpu.memory_space<hbm>> -> memref<40x128xi32, #tpu.memory_space<hbm>>
        tpu.wait_dma2 semaphore(%run_scoped3A : memref<!tpu.dma_semaphore, #tpu.memory_space<semaphore_mem>>) src(%dma_wait3A_43 : memref<40x128xi32, #tpu.memory_space<hbm>>) dst(%arg7 : memref<40x128xi32, #tpu.memory_space<vmem>>)
        tpu.yield
      }) : () -> ()
      "tpu.region"() ({
        %run_scoped3A = tpu.sem_alloc : memref<!tpu.dma_semaphore, #tpu.memory_space<semaphore_mem>>
        %dma_start3A_37 = arith.constant 0 : i32
        %dma_start3A_38 = tpu.memref_slice %arg4[%add3A_24, %dma_start3A_37] : memref<2560x128xi32, #tpu.memory_space<hbm>> -> memref<40x128xi32, #tpu.memory_space<hbm>>
        %dma_start3A_39 = arith.constant 0 : i32
        %dma_start3A_40 = tpu.memref_slice %arg4[%add3A_24, %dma_start3A_39] : memref<2560x128xi32, #tpu.memory_space<hbm>> -> memref<40x128xi32, #tpu.memory_space<hbm>>
        tpu.enqueue_dma source(%dma_start3A_40 : memref<40x128xi32, #tpu.memory_space<hbm>>) target(%arg8 : memref<40x128xi32, #tpu.memory_space<vmem>>) target_semaphore(%run_scoped3A : memref<!tpu.dma_semaphore, #tpu.memory_space<semaphore_mem>>)
        %dma_wait3A = arith.constant 0 : i32
        %dma_wait3A_41 = tpu.memref_slice %arg4[%add3A_24, %dma_wait3A] : memref<2560x128xi32, #tpu.memory_space<hbm>> -> memref<40x128xi32, #tpu.memory_space<hbm>>
        %dma_wait3A_42 = arith.constant 0 : i32
        %dma_wait3A_43 = tpu.memref_slice %arg4[%add3A_24, %dma_wait3A_42] : memref<2560x128xi32, #tpu.memory_space<hbm>> -> memref<40x128xi32, #tpu.memory_space<hbm>>
        tpu.wait_dma2 semaphore(%run_scoped3A : memref<!tpu.dma_semaphore, #tpu.memory_space<semaphore_mem>>) src(%dma_wait3A_43 : memref<40x128xi32, #tpu.memory_space<hbm>>) dst(%arg8 : memref<40x128xi32, #tpu.memory_space<vmem>>)
        tpu.yield
      }) : () -> ()
      %dma_start3A = arith.constant 0 : i32
      %dma_start3A_25 = arith.constant 0 : i32
      %dma_start3A_26 = tpu.memref_slice %arg7[%dma_start3A, %dma_start3A_25] : memref<40x128xi32, #tpu.memory_space<vmem>> -> memref<1x128xi32, #tpu.memory_space<vmem>>
      %dma_start3A_27 = tpu.memref_squeeze %dma_start3A_26 : memref<1x128xi32, #tpu.memory_space<vmem>> -> memref<128xi32, #tpu.memory_space<vmem>>
      %dma_start3A_28 = arith.constant 0 : i32
      %dma_start3A_29 = arith.constant 0 : i32
      %dma_start3A_30 = tpu.memref_slice %arg2[%dma_start3A_28, %dma_start3A_29] : memref<10000x128xf32, #tpu.memory_space<hbm>> -> memref<10000x128xf32, #tpu.memory_space<hbm>>
      tpu.enqueue_indirect_dma source(%dma_start3A_30 : memref<10000x128xf32, #tpu.memory_space<hbm>>) target(%arg9 : memref<128x128xf32, #tpu.memory_space<vmem>>) offsets(%dma_start3A_27 : memref<128xi32, #tpu.memory_space<vmem>>) semaphore(%arg11 : memref<!tpu.dma_semaphore, #tpu.memory_space<semaphore_mem>>)
      %scan3A_31 = arith.constant 0 : i32
      %scan3A_32 = arith.constant 0 : i32
      %scan3A_33 = arith.constant 20 : i32
      %scan3A_34 = arith.addi %scan3A_32, %scan3A_33 : i32
      %scan3A_35 = arith.constant 1 : i32
      scf.for %scan3A_37 = %scan3A_32 to %scan3A_34 step %scan3A_35  : i32 {
        %mul3A_38 = arith.constant 2 : i32
        %mul3A_39 = arith.muli %scan3A_37, %mul3A_38 : i32
        %add3A_40 = arith.constant 1 : i32
        %add3A_41 = arith.addi %mul3A_39, %add3A_40 : i32
        %dma_start3A_42 = arith.constant 0 : i32
        %dma_start3A_43 = tpu.memref_slice %arg7[%add3A_41, %dma_start3A_42] : memref<40x128xi32, #tpu.memory_space<vmem>> -> memref<1x128xi32, #tpu.memory_space<vmem>>
        %dma_start3A_44 = tpu.memref_squeeze %dma_start3A_43 : memref<1x128xi32, #tpu.memory_space<vmem>> -> memref<128xi32, #tpu.memory_space<vmem>>
        %dma_start3A_45 = arith.constant 0 : i32
        %dma_start3A_46 = arith.constant 0 : i32
        %dma_start3A_47 = tpu.memref_slice %arg2[%dma_start3A_45, %dma_start3A_46] : memref<10000x128xf32, #tpu.memory_space<hbm>> -> memref<10000x128xf32, #tpu.memory_space<hbm>>
        tpu.enqueue_indirect_dma source(%dma_start3A_47 : memref<10000x128xf32, #tpu.memory_space<hbm>>) target(%arg10 : memref<128x128xf32, #tpu.memory_space<vmem>>) offsets(%dma_start3A_44 : memref<128xi32, #tpu.memory_space<vmem>>) semaphore(%arg12 : memref<!tpu.dma_semaphore, #tpu.memory_space<semaphore_mem>>)
        %dma_wait3A = arith.constant 0 : i32
        %dma_wait3A_48 = tpu.memref_slice %arg7[%mul3A_39, %dma_wait3A] : memref<40x128xi32, #tpu.memory_space<vmem>> -> memref<1x128xi32, #tpu.memory_space<vmem>>
        %dma_wait3A_49 = tpu.memref_squeeze %dma_wait3A_48 : memref<1x128xi32, #tpu.memory_space<vmem>> -> memref<128xi32, #tpu.memory_space<vmem>>
        %dma_wait3A_50 = arith.constant 0 : i32
        %dma_wait3A_51 = arith.constant 0 : i32
        %dma_wait3A_52 = tpu.memref_slice %arg2[%dma_wait3A_50, %dma_wait3A_51] : memref<10000x128xf32, #tpu.memory_space<hbm>> -> memref<10000x128xf32, #tpu.memory_space<hbm>>
        tpu.wait_indirect_dma semaphore(%arg11 : memref<!tpu.dma_semaphore, #tpu.memory_space<semaphore_mem>>) src(%dma_wait3A_52 : memref<10000x128xf32, #tpu.memory_space<hbm>>) dst(%arg9 : memref<128x128xf32, #tpu.memory_space<vmem>>)
        "tpu.region"() ({
          %run_scoped3A = tpu.sem_alloc : memref<!tpu.dma_semaphore, #tpu.memory_space<semaphore_mem>>
          %dma_start3A_67 = arith.constant 0 : i32
          %dma_start3A_68 = tpu.memref_slice %arg8[%mul3A_39, %dma_start3A_67] : memref<40x128xi32, #tpu.memory_space<vmem>> -> memref<1x128xi32, #tpu.memory_space<vmem>>
          %dma_start3A_69 = tpu.memref_squeeze %dma_start3A_68 : memref<1x128xi32, #tpu.memory_space<vmem>> -> memref<128xi32, #tpu.memory_space<vmem>>
          %dma_start3A_70 = arith.constant 0 : i32
          %dma_start3A_71 = arith.constant 0 : i32
          %dma_start3A_72 = tpu.memref_slice %arg13[%dma_start3A_70, %dma_start3A_71] : memref<10112x128xf32, #tpu.memory_space<vmem_shared>> -> memref<10112x128xf32, #tpu.memory_space<vmem_shared>>
          tpu.enqueue_indirect_dma source(%arg9 : memref<128x128xf32, #tpu.memory_space<vmem>>) target(%dma_start3A_72 : memref<10112x128xf32, #tpu.memory_space<vmem_shared>>) offsets(%dma_start3A_69 : memref<128xi32, #tpu.memory_space<vmem>>) semaphore(%run_scoped3A : memref<!tpu.dma_semaphore, #tpu.memory_space<semaphore_mem>>) {add = true}
          %dma_wait3A_73 = arith.constant 0 : i32
          %dma_wait3A_74 = tpu.memref_slice %arg8[%mul3A_39, %dma_wait3A_73] : memref<40x128xi32, #tpu.memory_space<vmem>> -> memref<1x128xi32, #tpu.memory_space<vmem>>
          %dma_wait3A_75 = tpu.memref_squeeze %dma_wait3A_74 : memref<1x128xi32, #tpu.memory_space<vmem>> -> memref<128xi32, #tpu.memory_space<vmem>>
          %dma_wait3A_76 = arith.constant 0 : i32
          %dma_wait3A_77 = arith.constant 0 : i32
          %dma_wait3A_78 = tpu.memref_slice %arg13[%dma_wait3A_76, %dma_wait3A_77] : memref<10112x128xf32, #tpu.memory_space<vmem_shared>> -> memref<10112x128xf32, #tpu.memory_space<vmem_shared>>
          tpu.wait_indirect_dma semaphore(%run_scoped3A : memref<!tpu.dma_semaphore, #tpu.memory_space<semaphore_mem>>) src(%arg9 : memref<128x128xf32, #tpu.memory_space<vmem>>) dst(%dma_wait3A_78 : memref<10112x128xf32, #tpu.memory_space<vmem_shared>>)
          tpu.yield
        }) : () -> ()
        %add3A_53 = arith.constant 2 : i32
        %add3A_54 = arith.addi %mul3A_39, %add3A_53 : i32
        %lt3A = arith.constant 40 : i32
        %lt3A_55 = arith.cmpi slt, %add3A_54, %lt3A : i32
        %convert_element_type3A = arith.extui %lt3A_55 : i1 to i32
        %cond3A = arith.constant 0 : i32
        %cond3A_56 = arith.cmpi ne, %convert_element_type3A, %cond3A : i32
        scf.if %cond3A_56 {
          %add3A_67 = arith.constant 2 : i32
          %add3A_68 = arith.addi %mul3A_39, %add3A_67 : i32
          %dma_start3A_69 = arith.constant 0 : i32
          %dma_start3A_70 = tpu.memref_slice %arg7[%add3A_68, %dma_start3A_69] : memref<40x128xi32, #tpu.memory_space<vmem>> -> memref<1x128xi32, #tpu.memory_space<vmem>>
          %dma_start3A_71 = tpu.memref_squeeze %dma_start3A_70 : memref<1x128xi32, #tpu.memory_space<vmem>> -> memref<128xi32, #tpu.memory_space<vmem>>
          %dma_start3A_72 = arith.constant 0 : i32
          %dma_start3A_73 = arith.constant 0 : i32
          %dma_start3A_74 = tpu.memref_slice %arg2[%dma_start3A_72, %dma_start3A_73] : memref<10000x128xf32, #tpu.memory_space<hbm>> -> memref<10000x128xf32, #tpu.memory_space<hbm>>
          tpu.enqueue_indirect_dma source(%dma_start3A_74 : memref<10000x128xf32, #tpu.memory_space<hbm>>) target(%arg9 : memref<128x128xf32, #tpu.memory_space<vmem>>) offsets(%dma_start3A_71 : memref<128xi32, #tpu.memory_space<vmem>>) semaphore(%arg11 : memref<!tpu.dma_semaphore, #tpu.memory_space<semaphore_mem>>)
        } else {
        }
        %add3A_57 = arith.constant 1 : i32
        %add3A_58 = arith.addi %mul3A_39, %add3A_57 : i32
        %dma_wait3A_59 = arith.constant 0 : i32
        %dma_wait3A_60 = tpu.memref_slice %arg7[%add3A_58, %dma_wait3A_59] : memref<40x128xi32, #tpu.memory_space<vmem>> -> memref<1x128xi32, #tpu.memory_space<vmem>>
        %dma_wait3A_61 = tpu.memref_squeeze %dma_wait3A_60 : memref<1x128xi32, #tpu.memory_space<vmem>> -> memref<128xi32, #tpu.memory_space<vmem>>
        %dma_wait3A_62 = arith.constant 0 : i32
        %dma_wait3A_63 = arith.constant 0 : i32
        %dma_wait3A_64 = tpu.memref_slice %arg2[%dma_wait3A_62, %dma_wait3A_63] : memref<10000x128xf32, #tpu.memory_space<hbm>> -> memref<10000x128xf32, #tpu.memory_space<hbm>>
        tpu.wait_indirect_dma semaphore(%arg12 : memref<!tpu.dma_semaphore, #tpu.memory_space<semaphore_mem>>) src(%dma_wait3A_64 : memref<10000x128xf32, #tpu.memory_space<hbm>>) dst(%arg10 : memref<128x128xf32, #tpu.memory_space<vmem>>)
        %add3A_65 = arith.constant 1 : i32
        %add3A_66 = arith.addi %mul3A_39, %add3A_65 : i32
        "tpu.region"() ({
          %run_scoped3A = tpu.sem_alloc : memref<!tpu.dma_semaphore, #tpu.memory_space<semaphore_mem>>
          %dma_start3A_67 = arith.constant 0 : i32
          %dma_start3A_68 = tpu.memref_slice %arg8[%add3A_66, %dma_start3A_67] : memref<40x128xi32, #tpu.memory_space<vmem>> -> memref<1x128xi32, #tpu.memory_space<vmem>>
          %dma_start3A_69 = tpu.memref_squeeze %dma_start3A_68 : memref<1x128xi32, #tpu.memory_space<vmem>> -> memref<128xi32, #tpu.memory_space<vmem>>
          %dma_start3A_70 = arith.constant 0 : i32
          %dma_start3A_71 = arith.constant 0 : i32
          %dma_start3A_72 = tpu.memref_slice %arg13[%dma_start3A_70, %dma_start3A_71] : memref<10112x128xf32, #tpu.memory_space<vmem_shared>> -> memref<10112x128xf32, #tpu.memory_space<vmem_shared>>
          tpu.enqueue_indirect_dma source(%arg10 : memref<128x128xf32, #tpu.memory_space<vmem>>) target(%dma_start3A_72 : memref<10112x128xf32, #tpu.memory_space<vmem_shared>>) offsets(%dma_start3A_69 : memref<128xi32, #tpu.memory_space<vmem>>) semaphore(%run_scoped3A : memref<!tpu.dma_semaphore, #tpu.memory_space<semaphore_mem>>) {add = true}
          %dma_wait3A_73 = arith.constant 0 : i32
          %dma_wait3A_74 = tpu.memref_slice %arg8[%add3A_66, %dma_wait3A_73] : memref<40x128xi32, #tpu.memory_space<vmem>> -> memref<1x128xi32, #tpu.memory_space<vmem>>
          %dma_wait3A_75 = tpu.memref_squeeze %dma_wait3A_74 : memref<1x128xi32, #tpu.memory_space<vmem>> -> memref<128xi32, #tpu.memory_space<vmem>>
          %dma_wait3A_76 = arith.constant 0 : i32
          %dma_wait3A_77 = arith.constant 0 : i32
          %dma_wait3A_78 = tpu.memref_slice %arg13[%dma_wait3A_76, %dma_wait3A_77] : memref<10112x128xf32, #tpu.memory_space<vmem_shared>> -> memref<10112x128xf32, #tpu.memory_space<vmem_shared>>
          tpu.wait_indirect_dma semaphore(%run_scoped3A : memref<!tpu.dma_semaphore, #tpu.memory_space<semaphore_mem>>) src(%arg10 : memref<128x128xf32, #tpu.memory_space<vmem>>) dst(%dma_wait3A_78 : memref<10112x128xf32, #tpu.memory_space<vmem_shared>>)
          tpu.yield
        }) : () -> ()
      }
      %scan3A_36 = arith.constant 20 : i32
    }
    %scan3A_19 = arith.constant 2 : i32
    %barrier3A_20 = arith.constant 0 : index
    tpu.barrier barrier_id(%barrier3A_20)
    "tpu.region"() ({
      %run_scoped3A = tpu.sem_alloc : memref<!tpu.dma_semaphore, #tpu.memory_space<semaphore_mem>>
      %dma_start3A = arith.constant 0 : i32
      %dma_start3A_21 = tpu.memref_slice %arg6[%arg0, %mul3A_2, %dma_start3A] : memref<2x10112x128xf32, #tpu.memory_space<hbm>> -> memref<1x632x128xf32, #tpu.memory_space<hbm>>
      %dma_start3A_22 = tpu.memref_squeeze %dma_start3A_21 : memref<1x632x128xf32, #tpu.memory_space<hbm>> -> memref<632x128xf32, #tpu.memory_space<hbm>>
      %dma_start3A_23 = arith.constant 0 : i32
      %dma_start3A_24 = tpu.memref_slice %arg13[%mul3A_2, %dma_start3A_23] : memref<10112x128xf32, #tpu.memory_space<vmem_shared>> -> memref<632x128xf32, #tpu.memory_space<vmem_shared>>
      tpu.enqueue_dma source(%dma_start3A_24 : memref<632x128xf32, #tpu.memory_space<vmem_shared>>) target(%dma_start3A_22 : memref<632x128xf32, #tpu.memory_space<hbm>>) target_semaphore(%run_scoped3A : memref<!tpu.dma_semaphore, #tpu.memory_space<semaphore_mem>>)
      %dma_wait3A = arith.constant 0 : i32
      %dma_wait3A_25 = tpu.memref_slice %arg6[%arg0, %mul3A_2, %dma_wait3A] : memref<2x10112x128xf32, #tpu.memory_space<hbm>> -> memref<1x632x128xf32, #tpu.memory_space<hbm>>
      %dma_wait3A_26 = tpu.memref_squeeze %dma_wait3A_25 : memref<1x632x128xf32, #tpu.memory_space<hbm>> -> memref<632x128xf32, #tpu.memory_space<hbm>>
      %dma_wait3A_27 = arith.constant 0 : i32
      %dma_wait3A_28 = tpu.memref_slice %arg13[%mul3A_2, %dma_wait3A_27] : memref<10112x128xf32, #tpu.memory_space<vmem_shared>> -> memref<632x128xf32, #tpu.memory_space<vmem_shared>>
      tpu.wait_dma2 semaphore(%run_scoped3A : memref<!tpu.dma_semaphore, #tpu.memory_space<semaphore_mem>>) src(%dma_wait3A_28 : memref<632x128xf32, #tpu.memory_space<vmem_shared>>) dst(%dma_wait3A_26 : memref<632x128xf32, #tpu.memory_space<hbm>>)
      tpu.yield
    }) : () -> ()
    return
  }
}

module attributes {stable_mosaic.version = 14 : i64} {
  func.func @body(%arg0: i32, %arg1: memref<2x1000x128xf32, #tpu.memory_space<vmem>>, %arg2: memref<1000x16xf32, #tpu.memory_space<vmem>>, %arg3: memref<1x16xf32, #tpu.memory_space<vmem>>, %arg4: memref<1000x128xf32, #tpu.memory_space<vmem>>, %arg5: memref<1000x16xf32, #tpu.memory_space<vmem>>, %arg6: memref<1000x8xf32, #tpu.memory_space<vmem>>) attributes {dimension_semantics = [#tpu.dimension_semantics<arbitrary>], iteration_bounds = array<i64: 10>, scalar_prefetch = 0 : i64, scratch_operands = 0 : i64, tpu.core_type = #tpu.core_type<tc>, window_params = [{transform_indices = @transform_0, window_bounds = array<i64: 2, 1000, 128>}, {transform_indices = @transform_1, window_bounds = array<i64: 1000, 16>}, {pipeline_mode = #tpu.pipeline_mode<synchronous>, transform_indices = @transform_2, window_bounds = array<i64: 1, 16>}, {transform_indices = @transform_3, window_bounds = array<i64: 1000, 128>}, {transform_indices = @transform_4, window_bounds = array<i64: 1000, 16>}, {transform_indices = @transform_5, window_bounds = array<i64: 1000, 8>}]} {
    %get3A = arith.constant 0 : index
    %get3A_0 = arith.constant 0 : index
    %get3A_1 = arith.constant 0 : index
    %get3A_2 = vector.load %arg1[%get3A, %get3A_0, %get3A_1] : memref<2x1000x128xf32, #tpu.memory_space<vmem>>, vector<1x1000x128xf32>
    %get3A_3 = vector.shape_cast %get3A_2 : vector<1x1000x128xf32> to vector<1000x128xf32>
    %get3A_4 = arith.constant 1 : index
    %get3A_5 = arith.constant 0 : index
    %get3A_6 = arith.constant 0 : index
    %get3A_7 = vector.load %arg1[%get3A_4, %get3A_5, %get3A_6] : memref<2x1000x128xf32, #tpu.memory_space<vmem>>, vector<1x1000x128xf32>
    %get3A_8 = vector.shape_cast %get3A_7 : vector<1x1000x128xf32> to vector<1000x128xf32>
    %add3A = arith.addf %get3A_3, %get3A_8 : vector<1000x128xf32>
    %slice3A = vector.extract_strided_slice %add3A {offsets = [0, 16], sizes = [1000, 1], strides = [1, 1]} : vector<1000x128xf32> to vector<1000x1xf32>
    %max3A = arith.constant 1.000000e+00 : f32
    %max3A_9 = vector.broadcast %max3A : f32 to vector<1000x1xf32>
    %max3A_10 = arith.maximumf %slice3A, %max3A_9 : vector<1000x1xf32>
    %div3A = arith.constant 1.000000e+00 : f32
    %div3A_11 = vector.broadcast %div3A : f32 to vector<1000x1xf32>
    %div3A_12 = arith.divf %div3A_11, %max3A_10 : vector<1000x1xf32>
    %slice3A_13 = vector.extract_strided_slice %add3A {offsets = [0, 0], sizes = [1000, 16], strides = [1, 1]} : vector<1000x128xf32> to vector<1000x16xf32>
    %mul3A = vector.broadcast %div3A_12 : vector<1000x1xf32> to vector<1000x16xf32>
    %mul3A_14 = arith.mulf %slice3A_13, %mul3A : vector<1000x16xf32>
    %get3A_15 = arith.constant 0 : index
    %get3A_16 = arith.constant 0 : index
    %get3A_17 = vector.load %arg2[%get3A_15, %get3A_16] : memref<1000x16xf32, #tpu.memory_space<vmem>>, vector<1000x16xf32>
    %add3A_18 = arith.addf %mul3A_14, %get3A_17 : vector<1000x16xf32>
    %get3A_19 = arith.constant 0 : index
    %get3A_20 = arith.constant 0 : index
    %get3A_21 = vector.load %arg3[%get3A_19, %get3A_20] : memref<1x16xf32, #tpu.memory_space<vmem>>, vector<1x16xf32>
    %add3A_22 = vector.broadcast %get3A_21 : vector<1x16xf32> to vector<1000x16xf32>
    %add3A_23 = arith.addf %add3A_18, %add3A_22 : vector<1000x16xf32>
    %max3A_24 = arith.constant 0.000000e+00 : f32
    %max3A_25 = vector.broadcast %max3A_24 : f32 to vector<1000x16xf32>
    %max3A_26 = arith.maximumf %add3A_23, %max3A_25 : vector<1000x16xf32>
    %broadcast_in_dim3A = arith.constant 0.000000e+00 : f32
    %broadcast_in_dim3A_27 = vector.broadcast %broadcast_in_dim3A : f32 to vector<1000x112xf32>
    %concatenate3A = tpu.concatenate %max3A_26, %broadcast_in_dim3A_27 in 1 : vector<1000x16xf32>, vector<1000x112xf32> -> vector<1000x128xf32>
    %swap3A = arith.constant 0 : index
    %swap3A_28 = arith.constant 0 : index
    %swap3A_29 = vector.load %arg4[%swap3A, %swap3A_28] : memref<1000x128xf32, #tpu.memory_space<vmem>>, vector<1000x128xf32>
    tpu.vector_store %arg4[%swap3A, %swap3A_28], %concatenate3A {strides = array<i32>} : memref<1000x128xf32, #tpu.memory_space<vmem>>, vector<1000x128xf32>,
    %swap3A_30 = arith.constant 0 : index
    %swap3A_31 = arith.constant 0 : index
    %swap3A_32 = vector.load %arg5[%swap3A_30, %swap3A_31] : memref<1000x16xf32, #tpu.memory_space<vmem>>, vector<1000x16xf32>
    tpu.vector_store %arg5[%swap3A_30, %swap3A_31], %max3A_26 {strides = array<i32>} : memref<1000x16xf32, #tpu.memory_space<vmem>>, vector<1000x16xf32>,
    %broadcast_in_dim3A_33 = vector.shape_cast %div3A_12 : vector<1000x1xf32> to vector<1000x1xf32>
    %broadcast_in_dim3A_34 = vector.broadcast %broadcast_in_dim3A_33 : vector<1000x1xf32> to vector<1000x8xf32>
    %swap3A_35 = arith.constant 0 : index
    %swap3A_36 = arith.constant 0 : index
    %swap3A_37 = vector.load %arg6[%swap3A_35, %swap3A_36] : memref<1000x8xf32, #tpu.memory_space<vmem>>, vector<1000x8xf32>
    tpu.vector_store %arg6[%swap3A_35, %swap3A_36], %broadcast_in_dim3A_34 {strides = array<i32>} : memref<1000x8xf32, #tpu.memory_space<vmem>>, vector<1000x8xf32>,
    return
  }
  func.func @transform_0(%arg0: i32) -> (i32, i32, i32) {
    %c0_i32 = arith.constant 0 : i32
    %c0_i32_0 = arith.constant 0 : i32
    %c0_i32_1 = arith.constant 0 : i32
    return %c0_i32, %arg0, %c0_i32_0 : i32, i32, i32
  }
  func.func @transform_1(%arg0: i32) -> (i32, i32) {
    %c0_i32 = arith.constant 0 : i32
    %c0_i32_0 = arith.constant 0 : i32
    return %arg0, %c0_i32 : i32, i32
  }
  func.func @transform_2(%arg0: i32) -> (i32, i32) {
    %c0_i32 = arith.constant 0 : i32
    %c0_i32_0 = arith.constant 0 : i32
    %c0_i32_1 = arith.constant 0 : i32
    return %c0_i32, %c0_i32_0 : i32, i32
  }
  func.func @transform_3(%arg0: i32) -> (i32, i32) {
    %c0_i32 = arith.constant 0 : i32
    %c0_i32_0 = arith.constant 0 : i32
    return %arg0, %c0_i32 : i32, i32
  }
  func.func @transform_4(%arg0: i32) -> (i32, i32) {
    %c0_i32 = arith.constant 0 : i32
    %c0_i32_0 = arith.constant 0 : i32
    return %arg0, %c0_i32 : i32, i32
  }
  func.func @transform_5(%arg0: i32) -> (i32, i32) {
    %c0_i32 = arith.constant 0 : i32
    %c0_i32_0 = arith.constant 0 : i32
    return %arg0, %c0_i32 : i32, i32
  }
}

module attributes {stable_mosaic.version = 14 : i64} {
  func.func @body(%arg0: i32, %arg1: memref<1000x128xf32, #tpu.memory_space<vmem>>, %arg2: memref<128x32xf32, #tpu.memory_space<vmem>>, %arg3: memref<1000x128xf32, #tpu.memory_space<vmem>>, %arg4: memref<1000x16xf32, #tpu.memory_space<vmem>>) attributes {dimension_semantics = [#tpu.dimension_semantics<arbitrary>], iteration_bounds = array<i64: 10>, scalar_prefetch = 0 : i64, scratch_operands = 0 : i64, tpu.core_type = #tpu.core_type<tc>, window_params = [{transform_indices = @transform_0, window_bounds = array<i64: 1000, 128>}, {pipeline_mode = #tpu.pipeline_mode<synchronous>, transform_indices = @transform_1, window_bounds = array<i64: 128, 32>}, {transform_indices = @transform_2, window_bounds = array<i64: 1000, 128>}, {transform_indices = @transform_3, window_bounds = array<i64: 1000, 16>}]} {
    %get3A = arith.constant 0 : index
    %get3A_0 = arith.constant 0 : index
    %get3A_1 = vector.load %arg1[%get3A, %get3A_0] : memref<1000x128xf32, #tpu.memory_space<vmem>>, vector<1000x128xf32>
    %get3A_2 = arith.constant 0 : index
    %get3A_3 = arith.constant 0 : index
    %get3A_4 = vector.load %arg2[%get3A_2, %get3A_3] : memref<128x32xf32, #tpu.memory_space<vmem>>, vector<128x32xf32>
    %dot_general3A = arith.constant dense<0.000000e+00> : vector<1000x32xf32>
    %dot_general3A_5 = tpu.matmul %get3A_1, %get3A_4, %dot_general3A {dimension_numbers = #tpu.dot_dimension_numbers<[1], [0], [0], [1], [0, 0, 1, 1], [], []>, transpose_lhs_hint = false} : vector<1000x128xf32>, vector<128x32xf32>, vector<1000x32xf32> -> vector<1000x32xf32>
    %broadcast_in_dim3A = arith.constant 1.000000e+00 : f32
    %broadcast_in_dim3A_6 = vector.broadcast %broadcast_in_dim3A : f32 to vector<1000x1xf32>
    %broadcast_in_dim3A_7 = arith.constant 0.000000e+00 : f32
    %broadcast_in_dim3A_8 = vector.broadcast %broadcast_in_dim3A_7 : f32 to vector<1000x111xf32>
    %slice3A = vector.extract_strided_slice %dot_general3A_5 {offsets = [0, 0], sizes = [1000, 16], strides = [1, 1]} : vector<1000x32xf32> to vector<1000x16xf32>
    %concatenate3A = tpu.concatenate %slice3A, %broadcast_in_dim3A_6, %broadcast_in_dim3A_8 in 1 : vector<1000x16xf32>, vector<1000x1xf32>, vector<1000x111xf32> -> vector<1000x128xf32>
    %swap3A = arith.constant 0 : index
    %swap3A_9 = arith.constant 0 : index
    %swap3A_10 = vector.load %arg3[%swap3A, %swap3A_9] : memref<1000x128xf32, #tpu.memory_space<vmem>>, vector<1000x128xf32>
    tpu.vector_store %arg3[%swap3A, %swap3A_9], %concatenate3A {strides = array<i32>} : memref<1000x128xf32, #tpu.memory_space<vmem>>, vector<1000x128xf32>,
    %slice3A_11 = vector.extract_strided_slice %dot_general3A_5 {offsets = [0, 16], sizes = [1000, 16], strides = [1, 1]} : vector<1000x32xf32> to vector<1000x16xf32>
    %swap3A_12 = arith.constant 0 : index
    %swap3A_13 = arith.constant 0 : index
    %swap3A_14 = vector.load %arg4[%swap3A_12, %swap3A_13] : memref<1000x16xf32, #tpu.memory_space<vmem>>, vector<1000x16xf32>
    tpu.vector_store %arg4[%swap3A_12, %swap3A_13], %slice3A_11 {strides = array<i32>} : memref<1000x16xf32, #tpu.memory_space<vmem>>, vector<1000x16xf32>,
    return
  }
  func.func @transform_0(%arg0: i32) -> (i32, i32) {
    %c0_i32 = arith.constant 0 : i32
    %c0_i32_0 = arith.constant 0 : i32
    return %arg0, %c0_i32 : i32, i32
  }
  func.func @transform_1(%arg0: i32) -> (i32, i32) {
    %c0_i32 = arith.constant 0 : i32
    %c0_i32_0 = arith.constant 0 : i32
    %c0_i32_1 = arith.constant 0 : i32
    return %c0_i32, %c0_i32_0 : i32, i32
  }
  func.func @transform_2(%arg0: i32) -> (i32, i32) {
    %c0_i32 = arith.constant 0 : i32
    %c0_i32_0 = arith.constant 0 : i32
    return %arg0, %c0_i32 : i32, i32
  }
  func.func @transform_3(%arg0: i32) -> (i32, i32) {
    %c0_i32 = arith.constant 0 : i32
    %c0_i32_0 = arith.constant 0 : i32
    return %arg0, %c0_i32 : i32, i32
  }
}

module attributes {stable_mosaic.version = 14 : i64} {
  func.func @body(%arg0: i32, %arg1: memref<2x1000x128xf32, #tpu.memory_space<vmem>>, %arg2: memref<1000x16xf32, #tpu.memory_space<vmem>>, %arg3: memref<1000x8xf32, #tpu.memory_space<vmem>>, %arg4: memref<16x2xf32, #tpu.memory_space<vmem>>, %arg5: memref<16x2xf32, #tpu.memory_space<vmem>>, %arg6: memref<1x2xf32, #tpu.memory_space<vmem>>, %arg7: memref<1000x2xf32, #tpu.memory_space<vmem>>) attributes {dimension_semantics = [#tpu.dimension_semantics<arbitrary>], iteration_bounds = array<i64: 10>, scalar_prefetch = 0 : i64, scratch_operands = 0 : i64, tpu.core_type = #tpu.core_type<tc>, window_params = [{transform_indices = @transform_0, window_bounds = array<i64: 2, 1000, 128>}, {transform_indices = @transform_1, window_bounds = array<i64: 1000, 16>}, {transform_indices = @transform_2, window_bounds = array<i64: 1000, 8>}, {pipeline_mode = #tpu.pipeline_mode<synchronous>, transform_indices = @transform_3, window_bounds = array<i64: 16, 2>}, {pipeline_mode = #tpu.pipeline_mode<synchronous>, transform_indices = @transform_4, window_bounds = array<i64: 16, 2>}, {pipeline_mode = #tpu.pipeline_mode<synchronous>, transform_indices = @transform_5, window_bounds = array<i64: 1, 2>}, {transform_indices = @transform_6, window_bounds = array<i64: 1000, 2>}]} {
    %get3A = arith.constant 0 : index
    %get3A_0 = arith.constant 0 : index
    %get3A_1 = arith.constant 0 : index
    %get3A_2 = vector.load %arg1[%get3A, %get3A_0, %get3A_1] : memref<2x1000x128xf32, #tpu.memory_space<vmem>>, vector<1x1000x128xf32>
    %get3A_3 = vector.shape_cast %get3A_2 : vector<1x1000x128xf32> to vector<1000x128xf32>
    %get3A_4 = arith.constant 1 : index
    %get3A_5 = arith.constant 0 : index
    %get3A_6 = arith.constant 0 : index
    %get3A_7 = vector.load %arg1[%get3A_4, %get3A_5, %get3A_6] : memref<2x1000x128xf32, #tpu.memory_space<vmem>>, vector<1x1000x128xf32>
    %get3A_8 = vector.shape_cast %get3A_7 : vector<1x1000x128xf32> to vector<1000x128xf32>
    %add3A = arith.addf %get3A_3, %get3A_8 : vector<1000x128xf32>
    %slice3A = vector.extract_strided_slice %add3A {offsets = [0, 0], sizes = [1000, 16], strides = [1, 1]} : vector<1000x128xf32> to vector<1000x16xf32>
    %get3A_9 = arith.constant 0 : index
    %get3A_10 = arith.constant 0 : index
    %get3A_11 = vector.load %arg3[%get3A_9, %get3A_10] : memref<1000x8xf32, #tpu.memory_space<vmem>>, vector<1000x1xf32>
    %mul3A = vector.broadcast %get3A_11 : vector<1000x1xf32> to vector<1000x16xf32>
    %mul3A_12 = arith.mulf %slice3A, %mul3A : vector<1000x16xf32>
    %get3A_13 = arith.constant 0 : index
    %get3A_14 = arith.constant 0 : index
    %get3A_15 = vector.load %arg4[%get3A_13, %get3A_14] : memref<16x2xf32, #tpu.memory_space<vmem>>, vector<16x2xf32>
    %dot_general3A = arith.constant dense<0.000000e+00> : vector<1000x2xf32>
    %dot_general3A_16 = tpu.matmul %mul3A_12, %get3A_15, %dot_general3A {dimension_numbers = #tpu.dot_dimension_numbers<[1], [0], [0], [1], [0, 0, 1, 1], [], []>, transpose_lhs_hint = false} : vector<1000x16xf32>, vector<16x2xf32>, vector<1000x2xf32> -> vector<1000x2xf32>
    %get3A_17 = arith.constant 0 : index
    %get3A_18 = arith.constant 0 : index
    %get3A_19 = vector.load %arg2[%get3A_17, %get3A_18] : memref<1000x16xf32, #tpu.memory_space<vmem>>, vector<1000x16xf32>
    %get3A_20 = arith.constant 0 : index
    %get3A_21 = arith.constant 0 : index
    %get3A_22 = vector.load %arg5[%get3A_20, %get3A_21] : memref<16x2xf32, #tpu.memory_space<vmem>>, vector<16x2xf32>
    %dot_general3A_23 = arith.constant dense<0.000000e+00> : vector<1000x2xf32>
    %dot_general3A_24 = tpu.matmul %get3A_19, %get3A_22, %dot_general3A_23 {dimension_numbers = #tpu.dot_dimension_numbers<[1], [0], [0], [1], [0, 0, 1, 1], [], []>, transpose_lhs_hint = false} : vector<1000x16xf32>, vector<16x2xf32>, vector<1000x2xf32> -> vector<1000x2xf32>
    %add3A_25 = arith.addf %dot_general3A_16, %dot_general3A_24 : vector<1000x2xf32>
    %get3A_26 = arith.constant 0 : index
    %get3A_27 = arith.constant 0 : index
    %get3A_28 = vector.load %arg6[%get3A_26, %get3A_27] : memref<1x2xf32, #tpu.memory_space<vmem>>, vector<1x2xf32>
    %add3A_29 = vector.broadcast %get3A_28 : vector<1x2xf32> to vector<1000x2xf32>
    %add3A_30 = arith.addf %add3A_25, %add3A_29 : vector<1000x2xf32>
    %swap3A = arith.constant 0 : index
    %swap3A_31 = arith.constant 0 : index
    %swap3A_32 = vector.load %arg7[%swap3A, %swap3A_31] : memref<1000x2xf32, #tpu.memory_space<vmem>>, vector<1000x2xf32>
    tpu.vector_store %arg7[%swap3A, %swap3A_31], %add3A_30 {strides = array<i32>} : memref<1000x2xf32, #tpu.memory_space<vmem>>, vector<1000x2xf32>,
    return
  }
  func.func @transform_0(%arg0: i32) -> (i32, i32, i32) {
    %c0_i32 = arith.constant 0 : i32
    %c0_i32_0 = arith.constant 0 : i32
    %c0_i32_1 = arith.constant 0 : i32
    return %c0_i32, %arg0, %c0_i32_0 : i32, i32, i32
  }
  func.func @transform_1(%arg0: i32) -> (i32, i32) {
    %c0_i32 = arith.constant 0 : i32
    %c0_i32_0 = arith.constant 0 : i32
    return %arg0, %c0_i32 : i32, i32
  }
  func.func @transform_2(%arg0: i32) -> (i32, i32) {
    %c0_i32 = arith.constant 0 : i32
    %c0_i32_0 = arith.constant 0 : i32
    return %arg0, %c0_i32 : i32, i32
  }
  func.func @transform_3(%arg0: i32) -> (i32, i32) {
    %c0_i32 = arith.constant 0 : i32
    %c0_i32_0 = arith.constant 0 : i32
    %c0_i32_1 = arith.constant 0 : i32
    return %c0_i32, %c0_i32_0 : i32, i32
  }
  func.func @transform_4(%arg0: i32) -> (i32, i32) {
    %c0_i32 = arith.constant 0 : i32
    %c0_i32_0 = arith.constant 0 : i32
    %c0_i32_1 = arith.constant 0 : i32
    return %c0_i32, %c0_i32_0 : i32, i32
  }
  func.func @transform_5(%arg0: i32) -> (i32, i32) {
    %c0_i32 = arith.constant 0 : i32
    %c0_i32_0 = arith.constant 0 : i32
    %c0_i32_1 = arith.constant 0 : i32
    return %c0_i32, %c0_i32_0 : i32, i32
  }
  func.func @transform_6(%arg0: i32) -> (i32, i32) {
    %c0_i32 = arith.constant 0 : i32
    %c0_i32_0 = arith.constant 0 : i32
    return %arg0, %c0_i32 : i32, i32
  }
}

</mosaic_0001>

<sc_bundles>
// kernel: kernel.10.cloned.1.call-start
scs
__scs_entry_jumppad:
0x0: {  	(pc) =	sbr.rel $0x88, $3  }
0x1: {  	(tag) =	ssettag $0x0;
	lr =	simm.s32 $0x1  }
0x2: {  	[smem:$0x3F99] =	sst lr;
	_ =	strace $0xD0000000  }
0x3: {  	_ = 	snop  }
0x4: {  	_ = 	snop  }
0x5: {  	_ = 	snop  }
0x6: {  	_ = 	snop  }
0x7: {  	_ = 	snop  }
__scs_overlays_trampoline_lowered:
0x8: {  	[smem:$0x3FA8] =	sst s0  }
0x9: {  	[smem:$0x3FA9] =	sst s1  }
0xa: {  	[smem:$0x3FAA] =	sst s2  }
0xb: {  	[smem:$0x3FAB] =	sst s3  }
0xc: {  	[smem:$0x3FAC] =	sst s4  }
0xd: {  	[smem:$0x3FAD] =	sst s5  }
0xe: {  	[smem:$0x3FAE] =	sst s6  }
0xf: {  	[smem:$0x3FAF] =	sst s7  }
0x10: {  	[smem:$0x3FB0] =	sst s8  }
0x11: {  	[smem:$0x3FB1] =	sst s9;
	s0 =	simm.s32 @!p0 $0x0  }
0x12: {  	s1 =	sld [smem:$0x3F97];
	s0 =	simm.s32 @p0 $0x1  }
0x13: {  	[smem:$0x3FB2] =	sst s0;
	s0 =	simm.s32 @!p1 $0x0  }
0x14: {  	s2 =	sld [smem:$0x3F96];
	s0 =	simm.s32 @p1 $0x1  }
0x15: {  	[smem:$0x3FB3] =	sst s0;
	s0 =	simm.s32 @!p2 $0x0  }
0x16: {  	s3 =	sld [smem:$0x3FDB];
	s0 =	simm.s32 @p2 $0x1  }
0x17: {  	s4 =	simm.s32 $0x1BF5;
	[smem:$0x3FB5] =	sst s0  }
0x18: {  	s0 =	sld [smem:$0x3F98];
	_ =	swait.ge [sflag:s4], $0x0  }
0x19: {  	s7 =	sld [smem:$0x3F99]  }
0x1a: {  	s8 =	sadd.s32 $0xFFFFE003, lr  }
0x1b: {  	s9 =	sadd.s32 $0xFFFFFEF7, lr;
	s5 =	simm.s32 $0xFFFFFFFF;
	p2 =	slt.u32 s8, $0xFFFFF086  }
0x1c: {  	p1 =	slt.u32 s9, $0xF7A;
	s5 =	simm.s32 @!p2 $0x0  }
0x1d: {  	s5 =	simm.s32 @p1 $0x1;
	p0 =	seq.s32 s7, s2  }
0x1e: {  	s7 =	smul.u32 @!p0 $0xF7A, s2;
	p2 =	seq.s32 @!p0 s5, $0x0  }
0x1f: {  	s9 =	smul.u32 $0xF7A, s1;
	s8 =	simm.s32 @!p0 $0x1BF5;
	p2 =	por !p2, p0  }
0x20: {  	[sflag:s8] =	ssyncset.s32 @!p0 $0xFFFFF086;
	s6 =	sadd.s32 @!p0 s3, s7;
	s7 =	simm.s32 @!p0 $0x108  }
0x21: {  	s3 =	sadd.s32 s3, s9;
	s6 =	sadd.s32 @!p0 $0x88, s6;
	s7 =	simm.s32 @p2 $0x1082  }
0x22: {  	[simem:s7], [sflag:s8] =	dma.local @!p0 [hbm:s6], $0xF7A  }
0x23: {  	s9 =	sor.u32 $0xD0000000, s2;
	s6 =	simm.s32 $0x108;
	_ =	swait.ge @!p0 [sflag:s8], $0x0  }
0x24: {  	s3 =	sadd.s32 $0x88, s3;
	s6 =	simm.s32 @!p1 $0x1082;
	[sflag:s4] =	ssyncset.s32 $0xFFFFF086  }
0x25: {  	[simem:s6], [sflag:s4] =	dma.local [hbm:s3], $0xF7A  }
0x26: {  	[smem:$0x3F99] =	sst s1;
	(tag) =	ssettag s2;
	_ =	strace s9  }
0x27: {  	s1 =	sld [smem:$0x3FA9]  }
0x28: {  	s2 =	sld [smem:$0x3FAA]  }
0x29: {  	s4 =	sld [smem:$0x3FAC]  }
0x2a: {  	p0 =	seq.s32 s5, $0x0;
	s5 =	sld [smem:$0x3FAD]  }
0x2b: {  	s6 =	sld [smem:$0x3FAE]  }
0x2c: {  	s7 =	sld [smem:$0x3FAF]  }
0x2d: {  	s3 =	simm.s32 $0x108;
	s8 =	sld [smem:$0x3FB0]  }
0x2e: {  	s3 =	simm.s32 @!p0 $0x1082;
	s9 =	sld [smem:$0x3FB1]  }
0x2f: {  	lr =	sadd.s32 s0, s3;
	s0 =	sld [smem:$0x3FA8]  }
0x30: {  	s3 =	sld [smem:$0x3FAB]  }
0x31: {  	[smem:$0x3FB4] =	sst s10  }
0x32: {  	s10 =	sld [smem:$0x3FB2];
	_ =	sdelay $0x3  }
0x33: {  	p0 =	seq.s32 s10, $0x1;
	s10 =	sld [smem:$0x3FB4];
	_ =	sdelay $0x3  }
0x34: {  	[smem:$0x3FB4] =	sst s10  }
0x35: {  	s10 =	sld [smem:$0x3FB3];
	_ =	sdelay $0x3  }
0x36: {  	p1 =	seq.s32 s10, $0x1;
	s10 =	sld [smem:$0x3FB4];
	_ =	sdelay $0x3  }
0x37: {  	[smem:$0x3FB4] =	sst s10  }
0x38: {  	s10 =	sld [smem:$0x3FB5]  }
0x39: {  	_ = 	snop;
	(pc) =	sbr.ind lr, $3  }
0x3a: {  	_ = 	snop  }
0x3b: {  	_ = 	snop  }
0x3c: {  	p2 =	seq.s32 s10, $0x1;
	s10 =	sld [smem:$0x3FB4]  }
0x3d: {  	_ =	shalt  }
0x3e: {  	_ =	shalt  }
0x3f: {  	_ =	shalt  }
0x40: {  	_ =	shalt  }
0x41: {  	_ =	shalt  }
0x42: {  	_ =	shalt  }
0x43: {  	_ =	shalt  }
0x44: {  	_ =	shalt  }
0x45: {  	_ =	shalt  }
0x46: {  	_ =	shalt  }
0x47: {  	_ =	shalt  }
0x48: {  	_ =	shalt  }
0x49: {  	_ =	shalt  }
0x4a: {  	_ =	shalt  }
0x4b: {  	_ =	shalt  }
0x4c: {  	_ =	shalt  }
0x4d: {  	_ =	shalt  }
0x4e: {  	_ =	shalt  }
0x4f: {  	_ =	shalt  }
0x50: {  	_ =	shalt  }
0x51: {  	_ =	shalt  }
0x52: {  	_ =	shalt  }
0x53: {  	_ =	shalt  }
0x54: {  	_ =	shalt  }
0x55: {  	_ =	shalt  }
0x56: {  	_ =	shalt  }
0x57: {  	_ =	shalt  }
0x58: {  	_ =	shalt  }
0x59: {  	_ =	shalt  }
0x5a: {  	_ =	shalt  }
0x5b: {  	_ =	shalt  }
0x5c: {  	_ =	shalt  }
0x5d: {  	_ =	shalt  }
0x5e: {  	_ =	shalt  }
0x5f: {  	_ =	shalt  }
0x60: {  	_ =	shalt  }
0x61: {  	_ =	shalt  }
0x62: {  	_ =	shalt  }
0x63: {  	_ =	shalt  }
0x64: {  	_ =	shalt  }
0x65: {  	_ =	shalt  }
0x66: {  	_ =	shalt  }
0x67: {  	_ =	shalt  }
0x68: {  	_ =	shalt  }
0x69: {  	_ =	shalt  }
0x6a: {  	_ =	shalt  }
0x6b: {  	_ =	shalt  }
0x6c: {  	_ =	shalt  }
0x6d: {  	_ =	shalt  }
0x6e: {  	_ =	shalt  }
0x6f: {  	_ =	shalt  }
0x70: {  	_ =	shalt  }
0x71: {  	_ =	shalt  }
0x72: {  	_ =	shalt  }
0x73: {  	_ =	shalt  }
0x74: {  	_ =	shalt  }
0x75: {  	_ =	shalt  }
0x76: {  	_ =	shalt  }
0x77: {  	_ =	shalt  }
0x78: {  	_ =	shalt  }
0x79: {  	_ =	shalt  }
0x7a: {  	_ =	shalt  }
0x7b: {  	_ =	shalt  }
0x7c: {  	_ =	shalt  }
0x7d: {  	_ =	shalt  }
0x7e: {  	_ =	shalt  }
0x7f: {  	_ =	shalt  }
0x80: {  	_ =	shalt  }
0x81: {  	_ =	shalt  }
0x82: {  	_ =	shalt  }
0x83: {  	_ =	shalt  }
0x84: {  	_ =	shalt  }
0x85: {  	_ =	shalt  }
0x86: {  	_ =	shalt  }
0x87: {  	_ =	shalt  }
.Lfunc_end0:
.L_simem_size_0:
called_computation.1_lowered:
.L_overlay_start_0:
0x88: {  	s2 =	sld [smem:$0x3FD9]  }
0x89: {  	s3 =	sld [smem:$0x3FFE];
	_ =	sdelay $0x1  }
0x8a: {  	s1 =	srdreg.scid  }
0x8b: {  	s0 =	sand.u32 $0x1, s1  }
0x8c: {  	s17 =	sshll.u32 s0, $0xA;
	s2 =	sadd.s32 s3, s2  }
0x8d: {  	s2 =	sadd.s32 s2, s17  }
0x8e: {  	[smem:$0x3FC0] =	sst s2  }
0x8f: {  	_ = 	snop  }
0x90: {  	s2 =	sld [smem:$0x3FD0];
	(tm) =	ssettm $0x1  }
0x91: {  	s18 =	sld [smem:$0x3FFB];
	_ =	sdelay $0x3  }
0x92: {  	_ =	strace s18  }
0x93: {  	s3 =	sld [smem:$0x3FFC];
	_ =	sdelay $0x3  }
0x94: {  	_ =	strace s3  }
0x95: {  	s3 =	sld [smem:$0x3FFD];
	_ =	sdelay $0x3  }
0x96: {  	_ =	strace s3  }
0x97: {  	_ =	strace $0x8FFFFFFF  }
0x98: {  	s19 =	sld [smem:$0x3FDB];
	_ =	sdelay $0x1  }
0x99: {  	s4 =	simm.s32 $_scs_section_size  }
0x9a: {  	s5 =	simm.s32 $_size__tile_overlayer_lowered;
	s6 =	simm.s32 $_tile_overlayer_lowered  }
0x9b: {  	s22 =	simm.s32 $0x1BFF;
	s21 =	sshll.u32 s6, $0x1;
	s3 =	sadd.s32 s4, s19  }
0x9c: {  	s7 =	simm.s32 $0x0;
	s20 =	sshll.u32 s5, $0x1;
	s5 =	sadd.s32 s21, s3  }
0x9d: {  	[timem:s7], [sflag:s22] =	dma.local [hbm:s5], s20  }
0x9e: {  	_ =	swait.ge [sflag:s22], s20  }
0x9f: {  	s4 =	ssub.s32 $0x0, s20;
	[sflag:s22] =	ssyncset.done $0x0  }
0xa0: {  	[sflag:s22] =	ssyncadd.s32 s4;
	_ =	sdelay $0x1  }
0xa1: {  	s23 =	simm.s32 $0x1B8B  }
0xa2: {  	_ =	swait.ge [sflag:s23], $0x1  }
0xa3: {  	[sflag:s23] =	ssyncset.done $0x0  }
0xa4: {  	s25 =	simm.s32 $0x1B8E;
	s24 =	sld [smem:$0x3FFE];
	[sflag:s23] =	ssyncadd.s32 $0xFFFFFFFF  }
0xa5: {  	s26 =	simm.s32 $execute0_lowered;
	[smem:$0x3FD2] =	sst s25  }
0xa6: {  	s5 =	sshll.u32 s26, $0x1;
	_ =	strace $0x80000049;
	[dreg:$0x1] =	wrdreg $0xFFFFFFFF  }
0xa7: {  	s28 =	simm.s32 $_size_execute0_lowered;
	s3 =	sadd.s32 s3, s5;
	[dreg:$0x0] =	wrdreg $0x0  }
0xa8: {  	s5 =	sshll.u32 s28, $0x1;
	[dreg:$0x2] =	wrdreg s3  }
0xa9: {  	[dreg:$0x3] =	wrdreg s5  }
0xaa: {  	[dreg:$0x4] =	wrdreg $0xC0  }
0xab: {  	_ =	task [dreg:s7], $0x5FFFF  }
0xac: {  	[dreg:$0x1] =	wrdreg $0xFFFFFFFF  }
0xad: {  	[dreg:$0x0] =	wrdreg $0x60  }
0xae: {  	[dreg:$0x2] =	wrdreg s24  }
0xaf: {  	[dreg:$0x3] =	wrdreg s2  }
0xb0: {  	[dreg:$0x4] =	wrdreg $0xA8000  }
0xb1: {  	[dreg:$0x5] =	wrdreg $0x9  }
0xb2: {  	_ =	task.clear_ibuf [dreg:s7], $0x6FFFF;
	_ =	strace $0x90000049  }
0xb3: {  	s29 =	simm.s32 $0x9;
	_ =	strace $0x8000004B  }
0xb4: {  	_ =	swait.ge [sflag:s29], $0x1  }
0xb5: {  	[sflag:s29] =	ssyncadd.s32 $0xFFFFFFFF  }
0xb6: {  	_ =	strace $0x9000004B  }
0xb7: {  	_ =	sfence  }
0xb8: {  	s30 =	sld [smem:$0x0];
	_ =	sdelay $0x2  }
0xb9: {  	s31 =	sshll.u32 s1, $0xD;
	s1 =	sshrl.u32 s1, $0x2  }
0xba: {  	s3 =	sand.u32 $0x4000, s31;
	s1 =	sadd.s32 s1, s30  }
0xbb: {  	s0 =	sor.u32 s3, s0;
	s1 =	sshll.u32 s1, $0x11  }
0xbc: {  	s0 =	sor.u32 s1, s0  }
0xbd: {  	s0 =	sadd.s32 $0x8F2B, s0  }
0xbe: {  	[sflag:s0] =	ssyncadd.remote.s32 $0x1  }
0xbf: {  	_ =	sfence.sel $0xFFFF  }
0xc0: {  	[dreg:$0x0] =	wrdreg $0xFFFFFFFF;
	(pc) =	sbr.abs _section_cstart, $3  }
0xc1: {  	[dreg:$0x1] =	wrdreg $0xFFFFFFFF  }
0xc2: {  	_ =	task.clear_ibuf [dreg:s7], $0x2FFFF;
	_ =	strace $0x9FFFFFFF  }
0xc3: {  	(tm) =	ssettm $0x7FFFFFFF  }
tec
execute0_lowered:
.L_overlay_start_1:
0x0: {  	(tag) =	ssettag $0x1  }
0x1: {  	s6 =	rddreg [dreg:$0x0];
	s0 =	srdreg.scid  }
0x2: {  	s3 =	rddreg [dreg:$0x2];
	s1 =	stileid.u32;
	s4 =	simm.s32 $0x0  }
0x3: {  	s18 =	simm.s32 $0x3;
	s19 =	simm.s32 $0x1400;
	s20 =	simm.s32 $0x80  }
0x4: {  	s21 =	simm.s32 $0x6800;
	s22 =	simm.s32 $0x1;
	s23 =	simm.s32 $0x2  }
0x5: {  	s24 =	simm.s32 $0x1380;
	s25 =	simm.s32 $0x2700;
	s26 =	simm.s32 $0x2780  }
0x6: {  	s28 =	simm.s32 $0x0;
	s7 =	sand.u32 $0x1, s0;
	s8 =	smul.u32 $0x13C00, s1  }
0x7: {  	[smem:$0x7FF] =	sst s4;
	s9 =	smul.u32 $0x4F000, s1;
	s15 =	sadd.s32 $0x28600, s6  }
0x8: {  	s16 =	sadd.s32 $0x32600, s6;
	s31 =	sshll.u32 s1, $0x1;
	s5 =	smul.u32 $0x13C000, s7  }
0x9: {  	_ =	strace $0x8000004A;
	s30 =	ssub.s32 $0x2, s7;
	s12 =	sor.u32 s7, s31  }
0xa: {  	s9 =	sshrl.u32 s9, $0x2;
	s10 =	sshrl.u32 s30, $0x1;
	s14 =	smul.u32 $0x500, s12  }
0xb: {  	s8 =	sadd.s32 s8, s5;
	s5 =	sadd.s32 $0x1400, s6;
	s13 =	ssub.s32 s30, s10  }
0xc: {  	s8 =	sshrl.u32 s8, $0x3;
	s12 =	smax.u32 s13, $0x1;
	s17 =	sadd.s32 $0x280, s14  }
0xd: {  	s13 =	sadd.s32 s15, s14;
	s14 =	sadd.s32 s16, s14;
	s11 =	sadd.s32 s8, s6  }
0xe: {  	s6 =	sadd.s32 s9, s3;
	s15 =	sadd.s32 s15, s17;
	s16 =	sadd.s32 s16, s17  }
0xf: {  	s17 =	simm.s32 $0x2800;
	s7 =	sadd.s32 $0x4000, s6;
	s8 =	sadd.s32 $0x8000, s6  }
0x10: {  	s9 =	sadd.s32 $0xC000, s6;
	s10 =	sadd.s32 $0x10000, s6;
	s11 =	sadd.s32 $0x3C600, s11  }
.LBB2_1:
0x11: {  	s0 =	rddreg [dreg:$0x1]  }
0x12: {  	[tilespmem:s17], [sflag:$0x3] =	stream.linear.gather [hbm4b:s0+s4], $0x4000, $0x38;
	[tilespmem:$0x1E400] =	vst v63  }
0x13: {  	_ =	swait.ge [sflag:s18], $0x4000  }
0x14: {  	[sflag:s18] =	ssyncset.done $0x0  }
0x15: {  	[sflag:s18] =	ssyncadd.s32 $0xFFFFC000  }
0x16: {  	[spmem:s6] =	stream.linear.scatter [tilespmem:s17], [sflag:$0x3], $0x4000, $0x38;
	[tilespmem:$0x1E400] =	vst v63  }
0x17: {  	_ =	swait.ge [sflag:s18], $0x4000  }
0x18: {  	[sflag:s18] =	ssyncset.done $0x0  }
0x19: {  	[sflag:s18] =	ssyncadd.s32 $0xFFFFC000  }
0x1a: {  	[spmem:s7] =	stream.linear.scatter [tilespmem:s17], [sflag:$0x3], $0x4000, $0x38;
	[tilespmem:$0x1E400] =	vst v63  }
0x1b: {  	_ =	swait.ge [sflag:s18], $0x4000  }
0x1c: {  	[sflag:s18] =	ssyncset.done $0x0  }
0x1d: {  	[sflag:s18] =	ssyncadd.s32 $0xFFFFC000  }
0x1e: {  	[spmem:s8] =	stream.linear.scatter [tilespmem:s17], [sflag:$0x3], $0x4000, $0x38;
	[tilespmem:$0x1E400] =	vst v63  }
0x1f: {  	_ =	swait.ge [sflag:s18], $0x4000  }
0x20: {  	[sflag:s18] =	ssyncset.done $0x0  }
0x21: {  	[sflag:s18] =	ssyncadd.s32 $0xFFFFC000  }
0x22: {  	[spmem:s9] =	stream.linear.scatter [tilespmem:s17], [sflag:$0x3], $0x4000, $0x38;
	[tilespmem:$0x1E400] =	vst v63  }
0x23: {  	_ =	swait.ge [sflag:s18], $0x4000  }
0x24: {  	[sflag:s18] =	ssyncset.done $0x0  }
0x25: {  	[sflag:s18] =	ssyncadd.s32 $0xFFFFC000  }
0x26: {  	[spmem:s10] =	stream.linear.scatter [tilespmem:s17], [sflag:$0x3], $0x3C00, $0x38;
	[tilespmem:$0x1E400] =	vst v63  }
0x27: {  	_ =	swait.ge [sflag:s18], $0x3C00  }
0x28: {  	[sflag:s18] =	ssyncset.done $0x0  }
0x29: {  	[sflag:s18] =	ssyncadd.s32 $0xFFFFC400  }
0x2a: {  	[bflag:$0x0] =	sbarrier.arrive $0xFFFF  }
0x2b: {  	[tilespmem:s4], [sflag:$0x3] =	stream.linear.gather [hbm4b:s13+s4], $0x1400, $0x38;
	[tilespmem:$0x1E400] =	vst v63  }
0x2c: {  	_ =	swait.ge [sflag:s18], $0x1400  }
0x2d: {  	[sflag:s18] =	ssyncset.done $0x0  }
0x2e: {  	[sflag:s18] =	ssyncadd.s32 $0xFFFFEC00  }
0x2f: {  	[tilespmem:s19], [sflag:$0x3] =	stream.linear.gather [hbm4b:s14+s4], $0x1400, $0x38;
	[tilespmem:$0x1E400] =	vst v63  }
0x30: {  	_ =	swait.ge [sflag:s18], $0x1400  }
0x31: {  	[sflag:s18] =	ssyncset.done $0x0  }
0x32: {  	[sflag:s18] =	ssyncadd.s32 $0xFFFFEC00  }
0x33: {  	[tilespmem:s17], [sflag:$0x1] =	stream.indirect.gather [hbm4b:s5+s20], $0x80, s4, s20, $0xb8;
	[tilespmem:$0x1E400] =	vst v63  }
0x34: {  	s29 =	simm.s32 $0x80  }
0x35: {  	[tilespmem:s21], [sflag:$0x2] =	stream.indirect.gather [hbm4b:s5+s20], $0x80, s29, s20, $0xb8;
	[tilespmem:$0x1E400] =	vst v63  }
0x36: {  	_ =	swait.ge [sflag:s22], $0x4000  }
0x37: {  	[sflag:s22] =	ssyncset.done $0x0  }
0x38: {  	s29 =	simm.s32 $0x1400;
	[sflag:s22] =	ssyncadd.s32 $0xFFFFC000  }
0x39: {  	[spmem:s3] =	stream.indirect.scatter.add.f32 [tilespmem:s17], [sflag:$0x3], $0x80, s29, s20, $0xb8;
	[tilespmem:$0x1E400] =	vst v63  }
0x3a: {  	_ =	swait.ge [sflag:s18], $0x4000  }
0x3b: {  	[sflag:s18] =	ssyncset.done $0x0  }
0x3c: {  	s29 =	simm.s32 $0x100;
	[sflag:s18] =	ssyncadd.s32 $0xFFFFC000  }
0x3d: {  	[tilespmem:s17], [sflag:$0x1] =	stream.indirect.gather [hbm4b:s5+s20], $0x80, s29, s20, $0xb8;
	[tilespmem:$0x1E400] =	vst v63  }
0x3e: {  	_ =	swait.ge [sflag:s23], $0x4000  }
0x3f: {  	[sflag:s23] =	ssyncset.done $0x0  }
0x40: {  	s29 =	simm.s32 $0x1480;
	[sflag:s23] =	ssyncadd.s32 $0xFFFFC000  }
0x41: {  	[spmem:s3] =	stream.indirect.scatter.add.f32 [tilespmem:s21], [sflag:$0x3], $0x80, s29, s20, $0xb8;
	[tilespmem:$0x1E400] =	vst v63  }
0x42: {  	_ =	swait.ge [sflag:s18], $0x4000  }
0x43: {  	s30 =	simm.s32 $0x800;
	s29 =	simm.s32 $0x100;
	[sflag:s18] =	ssyncset.done $0x0  }
.LBB2_2:
0x44: {  	s31 =	sadd.s32 $0x80, s29  }
0x45: {  	[sflag:s18] =	ssyncadd.s32 $0xFFFFC000;
	s0 =	smov.u32 s30;
	s2 =	sadd.s32 $0x400, s30  }
0x46: {  	[tilespmem:s21], [sflag:$0x2] =	stream.indirect.gather [hbm4b:s5+s20], $0x80, s31, s20, $0xb8;
	[tilespmem:$0x1E400] =	vst v63  }
0x47: {  	p0 =	sne.s32 s30, $0x4800;
	_ =	swait.ge [sflag:s22], $0x4000  }
0x48: {  	[sflag:s22] =	ssyncset.done $0x0  }
0x49: {  	s30 =	sadd.s32 $0x1400, s29;
	[sflag:s22] =	ssyncadd.s32 $0xFFFFC000  }
0x4a: {  	[spmem:s3] =	stream.indirect.scatter.add.f32 [tilespmem:s17], [sflag:$0x3], $0x80, s30, s20, $0xb8;
	[tilespmem:$0x1E400] =	vst v63  }
0x4b: {  	_ =	swait.ge [sflag:s18], $0x4000  }
0x4c: {  	[sflag:s18] =	ssyncset.done $0x0  }
0x4d: {  	s30 =	sadd.s32 $0x100, s29;
	[sflag:s18] =	ssyncadd.s32 $0xFFFFC000  }
0x4e: {  	[tilespmem:s17], [sflag:$0x1] =	stream.indirect.gather [hbm4b:s5+s20], $0x80, s30, s20, $0xb8;
	[tilespmem:$0x1E400] =	vst v63  }
0x4f: {  	_ =	swait.ge [sflag:s23], $0x4000  }
.Ltmp0:
0x50: {  	[sflag:s23] =	ssyncset.done $0x0;
	(pc) =	sbr.rel @p0 .LBB2_2-.Ltmp0, $4  }
0x51: {  	s29 =	sadd.s32 $0x1480, s29;
	[sflag:s23] =	ssyncadd.s32 $0xFFFFC000  }
0x52: {  	[spmem:s3] =	stream.indirect.scatter.add.f32 [tilespmem:s21], [sflag:$0x3], $0x80, s29, s20, $0xb8;
	[tilespmem:$0x1E400] =	vst v63  }
0x53: {  	_ =	swait.ge [sflag:s18], $0x4000  }
0x54: {  	s30 =	smov.u32 s2;
	s29 =	sshra.s32 s0, $0x2;
	[sflag:s18] =	ssyncset.done $0x0  }
0x55: {  	s0 =	sadd.s32 $0x80, s29;
	[sflag:s18] =	ssyncadd.s32 $0xFFFFC000  }
0x56: {  	[tilespmem:s21], [sflag:$0x2] =	stream.indirect.gather [hbm4b:s5+s20], $0x80, s0, s20, $0xb8;
	[tilespmem:$0x1E400] =	vst v63  }
0x57: {  	_ =	swait.ge [sflag:s22], $0x4000  }
0x58: {  	[sflag:s22] =	ssyncset.done $0x0  }
0x59: {  	s2 =	sadd.s32 $0x1400, s29;
	[sflag:s22] =	ssyncadd.s32 $0xFFFFC000  }
0x5a: {  	[spmem:s3] =	stream.indirect.scatter.add.f32 [tilespmem:s17], [sflag:$0x3], $0x80, s2, s20, $0xb8;
	[tilespmem:$0x1E400] =	vst v63  }
0x5b: {  	_ =	swait.ge [sflag:s18], $0x4000  }
0x5c: {  	[sflag:s18] =	ssyncset.done $0x0  }
0x5d: {  	s31 =	sadd.s32 $0x100, s29;
	[sflag:s18] =	ssyncadd.s32 $0xFFFFC000  }
0x5e: {  	[tilespmem:s17], [sflag:$0x1] =	stream.indirect.gather [hbm4b:s5+s20], $0x80, s31, s20, $0xb8;
	[tilespmem:$0x1E400] =	vst v63  }
0x5f: {  	_ =	swait.ge [sflag:s23], $0x4000  }
0x60: {  	[sflag:s23] =	ssyncset.done $0x0  }
0x61: {  	s2 =	sadd.s32 $0x1480, s29;
	[sflag:s23] =	ssyncadd.s32 $0xFFFFC000  }
0x62: {  	[spmem:s3] =	stream.indirect.scatter.add.f32 [tilespmem:s21], [sflag:$0x3], $0x80, s2, s20, $0xb8;
	[tilespmem:$0x1E400] =	vst v63  }
0x63: {  	_ =	swait.ge [sflag:s18], $0x4000  }
0x64: {  	[sflag:s18] =	ssyncset.done $0x0  }
0x65: {  	[sflag:s18] =	ssyncadd.s32 $0xFFFFC000  }
0x66: {  	[tilespmem:s21], [sflag:$0x2] =	stream.indirect.gather [hbm4b:s5+s20], $0x80, s24, s20, $0xb8;
	[tilespmem:$0x1E400] =	vst v63  }
0x67: {  	_ =	swait.ge [sflag:s22], $0x4000  }
0x68: {  	[sflag:s22] =	ssyncset.done $0x0  }
0x69: {  	[sflag:s22] =	ssyncadd.s32 $0xFFFFC000  }
0x6a: {  	[spmem:s3] =	stream.indirect.scatter.add.f32 [tilespmem:s17], [sflag:$0x3], $0x80, s25, s20, $0xb8;
	[tilespmem:$0x1E400] =	vst v63  }
0x6b: {  	_ =	swait.ge [sflag:s18], $0x4000  }
0x6c: {  	[sflag:s18] =	ssyncset.done $0x0  }
0x6d: {  	[sflag:s18] =	ssyncadd.s32 $0xFFFFC000  }
0x6e: {  	_ =	swait.ge [sflag:s23], $0x4000  }
0x6f: {  	[sflag:s23] =	ssyncset.done $0x0  }
0x70: {  	[sflag:s23] =	ssyncadd.s32 $0xFFFFC000  }
0x71: {  	[spmem:s3] =	stream.indirect.scatter.add.f32 [tilespmem:s21], [sflag:$0x3], $0x80, s26, s20, $0xb8;
	[tilespmem:$0x1E400] =	vst v63  }
0x72: {  	_ =	swait.ge [sflag:s18], $0x4000  }
0x73: {  	[sflag:s18] =	ssyncset.done $0x0  }
0x74: {  	s31 =	simm.s32 $0x0;
	[sflag:s18] =	ssyncadd.s32 $0xFFFFC000  }
0x75: {  	[tilespmem:s31], [sflag:$0x3] =	stream.linear.gather [hbm4b:s15+s31], $0x1400, $0x38;
	[tilespmem:$0x1E400] =	vst v63  }
0x76: {  	_ =	swait.ge [sflag:s18], $0x1400  }
0x77: {  	[sflag:s18] =	ssyncset.done $0x0  }
0x78: {  	[sflag:s18] =	ssyncadd.s32 $0xFFFFEC00  }
0x79: {  	[tilespmem:s19], [sflag:$0x3] =	stream.linear.gather [hbm4b:s16+s31], $0x1400, $0x38;
	[tilespmem:$0x1E400] =	vst v63  }
0x7a: {  	_ =	swait.ge [sflag:s18], $0x1400  }
0x7b: {  	[sflag:s18] =	ssyncset.done $0x0  }
0x7c: {  	[sflag:s18] =	ssyncadd.s32 $0xFFFFEC00  }
0x7d: {  	[tilespmem:s17], [sflag:$0x1] =	stream.indirect.gather [hbm4b:s5+s20], $0x80, s31, s20, $0xb8;
	[tilespmem:$0x1E400] =	vst v63  }
0x7e: {  	s2 =	simm.s32 $0x80  }
0x7f: {  	[tilespmem:s21], [sflag:$0x2] =	stream.indirect.gather [hbm4b:s5+s20], $0x80, s2, s20, $0xb8;
	[tilespmem:$0x1E400] =	vst v63  }
0x80: {  	_ =	swait.ge [sflag:s22], $0x4000  }
0x81: {  	[sflag:s22] =	ssyncset.done $0x0  }
0x82: {  	s31 =	simm.s32 $0x1400;
	[sflag:s22] =	ssyncadd.s32 $0xFFFFC000  }
0x83: {  	[spmem:s3] =	stream.indirect.scatter.add.f32 [tilespmem:s17], [sflag:$0x3], $0x80, s31, s20, $0xb8;
	[tilespmem:$0x1E400] =	vst v63  }
0x84: {  	_ =	swait.ge [sflag:s18], $0x4000  }
0x85: {  	[sflag:s18] =	ssyncset.done $0x0  }
0x86: {  	s2 =	simm.s32 $0x100;
	[sflag:s18] =	ssyncadd.s32 $0xFFFFC000  }
0x87: {  	[tilespmem:s17], [sflag:$0x1] =	stream.indirect.gather [hbm4b:s5+s20], $0x80, s2, s20, $0xb8;
	[tilespmem:$0x1E400] =	vst v63  }
0x88: {  	_ =	swait.ge [sflag:s23], $0x4000  }
0x89: {  	[sflag:s23] =	ssyncset.done $0x0  }
0x8a: {  	s31 =	simm.s32 $0x1480;
	[sflag:s23] =	ssyncadd.s32 $0xFFFFC000  }
0x8b: {  	[spmem:s3] =	stream.indirect.scatter.add.f32 [tilespmem:s21], [sflag:$0x3], $0x80, s31, s20, $0xb8;
	[tilespmem:$0x1E400] =	vst v63  }
0x8c: {  	_ =	swait.ge [sflag:s18], $0x4000  }
0x8d: {  	s30 =	simm.s32 $0x800;
	s29 =	simm.s32 $0x100;
	[sflag:s18] =	ssyncset.done $0x0  }
.LBB2_4:
0x8e: {  	s0 =	sadd.s32 $0x80, s29  }
0x8f: {  	[sflag:s18] =	ssyncadd.s32 $0xFFFFC000;
	s2 =	smov.u32 s30;
	s31 =	sadd.s32 $0x400, s30  }
0x90: {  	[tilespmem:s21], [sflag:$0x2] =	stream.indirect.gather [hbm4b:s5+s20], $0x80, s0, s20, $0xb8;
	[tilespmem:$0x1E400] =	vst v63  }
0x91: {  	p0 =	sne.s32 s30, $0x4800;
	_ =	swait.ge [sflag:s22], $0x4000  }
0x92: {  	[sflag:s22] =	ssyncset.done $0x0  }
0x93: {  	s0 =	sadd.s32 $0x1400, s29;
	[sflag:s22] =	ssyncadd.s32 $0xFFFFC000  }
0x94: {  	[spmem:s3] =	stream.indirect.scatter.add.f32 [tilespmem:s17], [sflag:$0x3], $0x80, s0, s20, $0xb8;
	[tilespmem:$0x1E400] =	vst v63  }
0x95: {  	_ =	swait.ge [sflag:s18], $0x4000  }
0x96: {  	[sflag:s18] =	ssyncset.done $0x0  }
0x97: {  	s0 =	sadd.s32 $0x100, s29;
	[sflag:s18] =	ssyncadd.s32 $0xFFFFC000  }
0x98: {  	[tilespmem:s17], [sflag:$0x1] =	stream.indirect.gather [hbm4b:s5+s20], $0x80, s0, s20, $0xb8;
	[tilespmem:$0x1E400] =	vst v63  }
0x99: {  	_ =	swait.ge [sflag:s23], $0x4000  }
.Ltmp1:
0x9a: {  	[sflag:s23] =	ssyncset.done $0x0;
	(pc) =	sbr.rel @p0 .LBB2_4-.Ltmp1, $4  }
0x9b: {  	s0 =	sadd.s32 $0x1480, s29;
	[sflag:s23] =	ssyncadd.s32 $0xFFFFC000  }
0x9c: {  	[spmem:s3] =	stream.indirect.scatter.add.f32 [tilespmem:s21], [sflag:$0x3], $0x80, s0, s20, $0xb8;
	[tilespmem:$0x1E400] =	vst v63  }
0x9d: {  	_ =	swait.ge [sflag:s18], $0x4000  }
0x9e: {  	s30 =	smov.u32 s31;
	s29 =	sshra.s32 s2, $0x2;
	[sflag:s18] =	ssyncset.done $0x0  }
0x9f: {  	s0 =	sadd.s32 $0x80, s29;
	[sflag:s18] =	ssyncadd.s32 $0xFFFFC000  }
0xa0: {  	[tilespmem:s21], [sflag:$0x2] =	stream.indirect.gather [hbm4b:s5+s20], $0x80, s0, s20, $0xb8;
	[tilespmem:$0x1E400] =	vst v63  }
0xa1: {  	_ =	swait.ge [sflag:s22], $0x4000  }
0xa2: {  	[sflag:s22] =	ssyncset.done $0x0  }
0xa3: {  	s31 =	sadd.s32 $0x1400, s29;
	[sflag:s22] =	ssyncadd.s32 $0xFFFFC000  }
0xa4: {  	[spmem:s3] =	stream.indirect.scatter.add.f32 [tilespmem:s17], [sflag:$0x3], $0x80, s31, s20, $0xb8;
	[tilespmem:$0x1E400] =	vst v63  }
0xa5: {  	_ =	swait.ge [sflag:s18], $0x4000  }
0xa6: {  	[sflag:s18] =	ssyncset.done $0x0  }
0xa7: {  	s2 =	sadd.s32 $0x100, s29;
	[sflag:s18] =	ssyncadd.s32 $0xFFFFC000  }
0xa8: {  	[tilespmem:s17], [sflag:$0x1] =	stream.indirect.gather [hbm4b:s5+s20], $0x80, s2, s20, $0xb8;
	[tilespmem:$0x1E400] =	vst v63  }
0xa9: {  	_ =	swait.ge [sflag:s23], $0x4000  }
0xaa: {  	[sflag:s23] =	ssyncset.done $0x0  }
0xab: {  	s30 =	sadd.s32 $0x1480, s29;
	[sflag:s23] =	ssyncadd.s32 $0xFFFFC000  }
0xac: {  	[spmem:s3] =	stream.indirect.scatter.add.f32 [tilespmem:s21], [sflag:$0x3], $0x80, s30, s20, $0xb8;
	[tilespmem:$0x1E400] =	vst v63  }
0xad: {  	_ =	swait.ge [sflag:s18], $0x4000  }
0xae: {  	[sflag:s18] =	ssyncset.done $0x0  }
0xaf: {  	[sflag:s18] =	ssyncadd.s32 $0xFFFFC000  }
0xb0: {  	[tilespmem:s21], [sflag:$0x2] =	stream.indirect.gather [hbm4b:s5+s20], $0x80, s24, s20, $0xb8;
	[tilespmem:$0x1E400] =	vst v63  }
0xb1: {  	_ =	swait.ge [sflag:s22], $0x4000  }
0xb2: {  	[sflag:s22] =	ssyncset.done $0x0  }
0xb3: {  	[sflag:s22] =	ssyncadd.s32 $0xFFFFC000  }
0xb4: {  	[spmem:s3] =	stream.indirect.scatter.add.f32 [tilespmem:s17], [sflag:$0x3], $0x80, s25, s20, $0xb8;
	[tilespmem:$0x1E400] =	vst v63  }
0xb5: {  	_ =	swait.ge [sflag:s18], $0x4000  }
0xb6: {  	[sflag:s18] =	ssyncset.done $0x0  }
0xb7: {  	[sflag:s18] =	ssyncadd.s32 $0xFFFFC000  }
0xb8: {  	_ =	swait.ge [sflag:s23], $0x4000  }
0xb9: {  	[sflag:s23] =	ssyncset.done $0x0  }
0xba: {  	[sflag:s23] =	ssyncadd.s32 $0xFFFFC000  }
0xbb: {  	[spmem:s3] =	stream.indirect.scatter.add.f32 [tilespmem:s21], [sflag:$0x3], $0x80, s26, s20, $0xb8;
	[tilespmem:$0x1E400] =	vst v63  }
0xbc: {  	_ =	swait.ge [sflag:s18], $0x4000  }
0xbd: {  	s28 =	sadd.s32 $0x1, s28;
	s31 =	sshll.u32 s1, $0x6;
	[sflag:s18] =	ssyncset.done $0x0  }
0xbe: {  	p0 =	sne.s32 s28, s12;
	s0 =	sor.u32 $0x1C03, s31;
	[sflag:s18] =	ssyncadd.s32 $0xFFFFC000  }
.Ltmp2:
0xbf: {  	s2 =	sshrl.u32 s6, $0x3;
	[bflag:$0x0] =	sbarrier.arrive $0xFFFF;
	(pc) =	sbr.rel @p0 .LBB2_1-.Ltmp2, $4  }
0xc0: {  	[hbm:s11], [sflag:s0] =	dma.local [spmem:s2], $0x2780  }
0xc1: {  	_ =	swait.ge [sflag:s18], $0x2780  }
0xc2: {  	[sflag:s18] =	ssyncset.done $0x0  }
0xc3: {  	[sflag:s18] =	ssyncadd.s32 $0xFFFFD880  }
0xc4: {  	_ =	sfence.sel $0x180000  }
0xc5: {  	[bflag:$0x0] =	sbarrier.arrive $0xFFFF  }
0xc6: {  	_ =	strace $0x9000004A  }
0xc7: {  	[bflag:$0x2] =	sbarrier.arrive $0xFFFF  }
0xc8: {  	p0 =	sne.s32 s1, $0x0;
	s0 =	rddreg [dreg:$0x3]  }
0xc9: {  	s0 =	sadd.s32 @!p0 $0x100000, s0  }
0xca: {  	[sflag:s0] =	ssyncadd.tile.s32 @!p0 $0x1;
	_ =	shalt  }
.Lfunc_end2:
_tile_overlayer_lowered:
.L_overlay_start_2:
0xcb: {  	(tag) =	ssettag $0x2  }
0xcc: {  	s0 =	rddreg [dreg:$0x0];
	s2 =	stileid.u32  }
0xcd: {  	s1 =	rddreg [dreg:$0x1];
	p0 =	sne.s32 s2, $0x0  }
0xce: {  	s3 =	rddreg [dreg:$0x2];
	[bflag:$0x3] =	sbarrier.arrive $0xFFFF;
	s2 =	simm.s32 @!p0 $0x1C03  }
0xcf: {  	[timem:s3], [sflag:s2] =	dma.local @!p0 [hbm:s0], s1  }
0xd0: {  	s0 =	simm.s32 @!p0 $0x3  }
0xd1: {  	_ =	swait.ge @!p0 [sflag:s0], s1  }
0xd2: {  	s1 =	ssub.s32 @!p0 $0x0, s1;
	[sflag:s0] =	ssyncset.done @!p0 $0x0  }
0xd3: {  	[sflag:s0] =	ssyncadd.s32 @!p0 s1  }
0xd4: {  	[bflag:$0x3] =	sbarrier.arrive $0xFFFF  }
0xd5: {  	_ =	shalt  }

// kernel: kernel.7.cloned.1.call-start
scs
__scs_entry_jumppad:
0x0: {  	(pc) =	sbr.rel $0x88, $3  }
0x1: {  	(tag) =	ssettag $0x0;
	lr =	simm.s32 $0x1  }
0x2: {  	[smem:$0x3F99] =	sst lr;
	_ =	strace $0xD0000000  }
0x3: {  	_ = 	snop  }
0x4: {  	_ = 	snop  }
0x5: {  	_ = 	snop  }
0x6: {  	_ = 	snop  }
0x7: {  	_ = 	snop  }
__scs_overlays_trampoline_lowered:
0x8: {  	[smem:$0x3FA8] =	sst s0  }
0x9: {  	[smem:$0x3FA9] =	sst s1  }
0xa: {  	[smem:$0x3FAA] =	sst s2  }
0xb: {  	[smem:$0x3FAB] =	sst s3  }
0xc: {  	[smem:$0x3FAC] =	sst s4  }
0xd: {  	[smem:$0x3FAD] =	sst s5  }
0xe: {  	[smem:$0x3FAE] =	sst s6  }
0xf: {  	[smem:$0x3FAF] =	sst s7  }
0x10: {  	[smem:$0x3FB0] =	sst s8  }
0x11: {  	[smem:$0x3FB1] =	sst s9;
	s0 =	simm.s32 @!p0 $0x0  }
0x12: {  	s1 =	sld [smem:$0x3F97];
	s0 =	simm.s32 @p0 $0x1  }
0x13: {  	[smem:$0x3FB2] =	sst s0;
	s0 =	simm.s32 @!p1 $0x0  }
0x14: {  	s2 =	sld [smem:$0x3F96];
	s0 =	simm.s32 @p1 $0x1  }
0x15: {  	[smem:$0x3FB3] =	sst s0;
	s0 =	simm.s32 @!p2 $0x0  }
0x16: {  	s3 =	sld [smem:$0x3FDB];
	s0 =	simm.s32 @p2 $0x1  }
0x17: {  	s4 =	simm.s32 $0x1BF5;
	[smem:$0x3FB5] =	sst s0  }
0x18: {  	s0 =	sld [smem:$0x3F98];
	_ =	swait.ge [sflag:s4], $0x0  }
0x19: {  	s7 =	sld [smem:$0x3F99]  }
0x1a: {  	s8 =	sadd.s32 $0xFFFFE003, lr  }
0x1b: {  	s9 =	sadd.s32 $0xFFFFFEF7, lr;
	s5 =	simm.s32 $0xFFFFFFFF;
	p2 =	slt.u32 s8, $0xFFFFF086  }
0x1c: {  	p1 =	slt.u32 s9, $0xF7A;
	s5 =	simm.s32 @!p2 $0x0  }
0x1d: {  	s5 =	simm.s32 @p1 $0x1;
	p0 =	seq.s32 s7, s2  }
0x1e: {  	s7 =	smul.u32 @!p0 $0xF7A, s2;
	p2 =	seq.s32 @!p0 s5, $0x0  }
0x1f: {  	s9 =	smul.u32 $0xF7A, s1;
	s8 =	simm.s32 @!p0 $0x1BF5;
	p2 =	por !p2, p0  }
0x20: {  	[sflag:s8] =	ssyncset.s32 @!p0 $0xFFFFF086;
	s6 =	sadd.s32 @!p0 s3, s7;
	s7 =	simm.s32 @!p0 $0x108  }
0x21: {  	s3 =	sadd.s32 s3, s9;
	s6 =	sadd.s32 @!p0 $0x88, s6;
	s7 =	simm.s32 @p2 $0x1082  }
0x22: {  	[simem:s7], [sflag:s8] =	dma.local @!p0 [hbm:s6], $0xF7A  }
0x23: {  	s9 =	sor.u32 $0xD0000000, s2;
	s6 =	simm.s32 $0x108;
	_ =	swait.ge @!p0 [sflag:s8], $0x0  }
0x24: {  	s3 =	sadd.s32 $0x88, s3;
	s6 =	simm.s32 @!p1 $0x1082;
	[sflag:s4] =	ssyncset.s32 $0xFFFFF086  }
0x25: {  	[simem:s6], [sflag:s4] =	dma.local [hbm:s3], $0xF7A  }
0x26: {  	[smem:$0x3F99] =	sst s1;
	(tag) =	ssettag s2;
	_ =	strace s9  }
0x27: {  	s1 =	sld [smem:$0x3FA9]  }
0x28: {  	s2 =	sld [smem:$0x3FAA]  }
0x29: {  	s4 =	sld [smem:$0x3FAC]  }
0x2a: {  	p0 =	seq.s32 s5, $0x0;
	s5 =	sld [smem:$0x3FAD]  }
0x2b: {  	s6 =	sld [smem:$0x3FAE]  }
0x2c: {  	s7 =	sld [smem:$0x3FAF]  }
0x2d: {  	s3 =	simm.s32 $0x108;
	s8 =	sld [smem:$0x3FB0]  }
0x2e: {  	s3 =	simm.s32 @!p0 $0x1082;
	s9 =	sld [smem:$0x3FB1]  }
0x2f: {  	lr =	sadd.s32 s0, s3;
	s0 =	sld [smem:$0x3FA8]  }
0x30: {  	s3 =	sld [smem:$0x3FAB]  }
0x31: {  	[smem:$0x3FB4] =	sst s10  }
0x32: {  	s10 =	sld [smem:$0x3FB2];
	_ =	sdelay $0x3  }
0x33: {  	p0 =	seq.s32 s10, $0x1;
	s10 =	sld [smem:$0x3FB4];
	_ =	sdelay $0x3  }
0x34: {  	[smem:$0x3FB4] =	sst s10  }
0x35: {  	s10 =	sld [smem:$0x3FB3];
	_ =	sdelay $0x3  }
0x36: {  	p1 =	seq.s32 s10, $0x1;
	s10 =	sld [smem:$0x3FB4];
	_ =	sdelay $0x3  }
0x37: {  	[smem:$0x3FB4] =	sst s10  }
0x38: {  	s10 =	sld [smem:$0x3FB5]  }
0x39: {  	_ = 	snop;
	(pc) =	sbr.ind lr, $3  }
0x3a: {  	_ = 	snop  }
0x3b: {  	_ = 	snop  }
0x3c: {  	p2 =	seq.s32 s10, $0x1;
	s10 =	sld [smem:$0x3FB4]  }
0x3d: {  	_ =	shalt  }
0x3e: {  	_ =	shalt  }
0x3f: {  	_ =	shalt  }
0x40: {  	_ =	shalt  }
0x41: {  	_ =	shalt  }
0x42: {  	_ =	shalt  }
0x43: {  	_ =	shalt  }
0x44: {  	_ =	shalt  }
0x45: {  	_ =	shalt  }
0x46: {  	_ =	shalt  }
0x47: {  	_ =	shalt  }
0x48: {  	_ =	shalt  }
0x49: {  	_ =	shalt  }
0x4a: {  	_ =	shalt  }
0x4b: {  	_ =	shalt  }
0x4c: {  	_ =	shalt  }
0x4d: {  	_ =	shalt  }
0x4e: {  	_ =	shalt  }
0x4f: {  	_ =	shalt  }
0x50: {  	_ =	shalt  }
0x51: {  	_ =	shalt  }
0x52: {  	_ =	shalt  }
0x53: {  	_ =	shalt  }
0x54: {  	_ =	shalt  }
0x55: {  	_ =	shalt  }
0x56: {  	_ =	shalt  }
0x57: {  	_ =	shalt  }
0x58: {  	_ =	shalt  }
0x59: {  	_ =	shalt  }
0x5a: {  	_ =	shalt  }
0x5b: {  	_ =	shalt  }
0x5c: {  	_ =	shalt  }
0x5d: {  	_ =	shalt  }
0x5e: {  	_ =	shalt  }
0x5f: {  	_ =	shalt  }
0x60: {  	_ =	shalt  }
0x61: {  	_ =	shalt  }
0x62: {  	_ =	shalt  }
0x63: {  	_ =	shalt  }
0x64: {  	_ =	shalt  }
0x65: {  	_ =	shalt  }
0x66: {  	_ =	shalt  }
0x67: {  	_ =	shalt  }
0x68: {  	_ =	shalt  }
0x69: {  	_ =	shalt  }
0x6a: {  	_ =	shalt  }
0x6b: {  	_ =	shalt  }
0x6c: {  	_ =	shalt  }
0x6d: {  	_ =	shalt  }
0x6e: {  	_ =	shalt  }
0x6f: {  	_ =	shalt  }
0x70: {  	_ =	shalt  }
0x71: {  	_ =	shalt  }
0x72: {  	_ =	shalt  }
0x73: {  	_ =	shalt  }
0x74: {  	_ =	shalt  }
0x75: {  	_ =	shalt  }
0x76: {  	_ =	shalt  }
0x77: {  	_ =	shalt  }
0x78: {  	_ =	shalt  }
0x79: {  	_ =	shalt  }
0x7a: {  	_ =	shalt  }
0x7b: {  	_ =	shalt  }
0x7c: {  	_ =	shalt  }
0x7d: {  	_ =	shalt  }
0x7e: {  	_ =	shalt  }
0x7f: {  	_ =	shalt  }
0x80: {  	_ =	shalt  }
0x81: {  	_ =	shalt  }
0x82: {  	_ =	shalt  }
0x83: {  	_ =	shalt  }
0x84: {  	_ =	shalt  }
0x85: {  	_ =	shalt  }
0x86: {  	_ =	shalt  }
0x87: {  	_ =	shalt  }
.Lfunc_end0:
.L_simem_size_0:
called_computation_lowered:
.L_overlay_start_0:
0x88: {  	s2 =	sld [smem:$0x3FD9]  }
0x89: {  	s3 =	sld [smem:$0x3FFE];
	_ =	sdelay $0x1  }
0x8a: {  	s1 =	srdreg.scid  }
0x8b: {  	s0 =	sand.u32 $0x1, s1  }
0x8c: {  	s17 =	sshll.u32 s0, $0xA;
	s2 =	sadd.s32 s3, s2  }
0x8d: {  	s2 =	sadd.s32 s2, s17  }
0x8e: {  	[smem:$0x3FC0] =	sst s2  }
0x8f: {  	_ = 	snop  }
0x90: {  	s2 =	sld [smem:$0x3FD0];
	(tm) =	ssettm $0x1  }
0x91: {  	s18 =	sld [smem:$0x3FFB];
	_ =	sdelay $0x3  }
0x92: {  	_ =	strace s18  }
0x93: {  	s3 =	sld [smem:$0x3FFC];
	_ =	sdelay $0x3  }
0x94: {  	_ =	strace s3  }
0x95: {  	s3 =	sld [smem:$0x3FFD];
	_ =	sdelay $0x3  }
0x96: {  	_ =	strace s3  }
0x97: {  	_ =	strace $0x8FFFFFFF  }
0x98: {  	s19 =	sld [smem:$0x3FDB];
	_ =	sdelay $0x1  }
0x99: {  	s4 =	simm.s32 $_scs_section_size  }
0x9a: {  	s5 =	simm.s32 $_size__tile_overlayer_lowered;
	s6 =	simm.s32 $_tile_overlayer_lowered  }
0x9b: {  	s22 =	simm.s32 $0x1BFF;
	s21 =	sshll.u32 s6, $0x1;
	s3 =	sadd.s32 s4, s19  }
0x9c: {  	s7 =	simm.s32 $0x0;
	s20 =	sshll.u32 s5, $0x1;
	s5 =	sadd.s32 s21, s3  }
0x9d: {  	[timem:s7], [sflag:s22] =	dma.local [hbm:s5], s20  }
0x9e: {  	_ =	swait.ge [sflag:s22], s20  }
0x9f: {  	s4 =	ssub.s32 $0x0, s20;
	[sflag:s22] =	ssyncset.done $0x0  }
0xa0: {  	[sflag:s22] =	ssyncadd.s32 s4;
	_ =	sdelay $0x1  }
0xa1: {  	s23 =	simm.s32 $0x1B8B  }
0xa2: {  	_ =	swait.ge [sflag:s23], $0x1  }
0xa3: {  	[sflag:s23] =	ssyncset.done $0x0  }
0xa4: {  	s25 =	simm.s32 $0x1B8E;
	s24 =	sld [smem:$0x3FFE];
	[sflag:s23] =	ssyncadd.s32 $0xFFFFFFFF  }
0xa5: {  	s26 =	simm.s32 $execute0_lowered;
	[smem:$0x3FD2] =	sst s25  }
0xa6: {  	s5 =	sshll.u32 s26, $0x1;
	_ =	strace $0x80000046;
	[dreg:$0x1] =	wrdreg $0xFFFFFFFF  }
0xa7: {  	s28 =	simm.s32 $_size_execute0_lowered;
	s3 =	sadd.s32 s3, s5;
	[dreg:$0x0] =	wrdreg $0x0  }
0xa8: {  	s5 =	sshll.u32 s28, $0x1;
	[dreg:$0x2] =	wrdreg s3  }
0xa9: {  	[dreg:$0x3] =	wrdreg s5  }
0xaa: {  	[dreg:$0x4] =	wrdreg $0xC0  }
0xab: {  	_ =	task [dreg:s7], $0x5FFFF  }
0xac: {  	[dreg:$0x1] =	wrdreg $0xFFFFFFFF  }
0xad: {  	[dreg:$0x0] =	wrdreg $0x60  }
0xae: {  	[dreg:$0x2] =	wrdreg s24  }
0xaf: {  	[dreg:$0x3] =	wrdreg s2  }
0xb0: {  	[dreg:$0x4] =	wrdreg $0xA8000  }
0xb1: {  	[dreg:$0x5] =	wrdreg $0x9  }
0xb2: {  	_ =	task.clear_ibuf [dreg:s7], $0x6FFFF;
	_ =	strace $0x90000046  }
0xb3: {  	s29 =	simm.s32 $0x9;
	_ =	strace $0x80000048  }
0xb4: {  	_ =	swait.ge [sflag:s29], $0x1  }
0xb5: {  	[sflag:s29] =	ssyncadd.s32 $0xFFFFFFFF  }
0xb6: {  	_ =	strace $0x90000048  }
0xb7: {  	_ =	sfence  }
0xb8: {  	s30 =	sld [smem:$0x0];
	_ =	sdelay $0x2  }
0xb9: {  	s31 =	sshll.u32 s1, $0xD;
	s1 =	sshrl.u32 s1, $0x2  }
0xba: {  	s3 =	sand.u32 $0x4000, s31;
	s1 =	sadd.s32 s1, s30  }
0xbb: {  	s0 =	sor.u32 s3, s0;
	s1 =	sshll.u32 s1, $0x11  }
0xbc: {  	s0 =	sor.u32 s1, s0  }
0xbd: {  	s0 =	sadd.s32 $0x8F2B, s0  }
0xbe: {  	[sflag:s0] =	ssyncadd.remote.s32 $0x1  }
0xbf: {  	_ =	sfence.sel $0xFFFF  }
0xc0: {  	[dreg:$0x0] =	wrdreg $0xFFFFFFFF;
	(pc) =	sbr.abs _section_cstart, $3  }
0xc1: {  	[dreg:$0x1] =	wrdreg $0xFFFFFFFF  }
0xc2: {  	_ =	task.clear_ibuf [dreg:s7], $0x2FFFF;
	_ =	strace $0x9FFFFFFF  }
0xc3: {  	(tm) =	ssettm $0x7FFFFFFF  }
tec
execute0_lowered:
.L_overlay_start_1:
0x0: {  	(tag) =	ssettag $0x1  }
0x1: {  	s6 =	rddreg [dreg:$0x0];
	s0 =	srdreg.scid  }
0x2: {  	s3 =	rddreg [dreg:$0x2];
	s1 =	stileid.u32;
	s4 =	simm.s32 $0x0  }
0x3: {  	s18 =	simm.s32 $0x3;
	s19 =	simm.s32 $0x1400;
	s20 =	simm.s32 $0x80  }
0x4: {  	s21 =	simm.s32 $0x6800;
	s22 =	simm.s32 $0x1;
	s23 =	simm.s32 $0x2  }
0x5: {  	s24 =	simm.s32 $0x1380;
	s25 =	simm.s32 $0x2700;
	s26 =	simm.s32 $0x2780  }
0x6: {  	s28 =	simm.s32 $0x0;
	s7 =	sand.u32 $0x1, s0;
	s8 =	smul.u32 $0x13C00, s1  }
0x7: {  	[smem:$0x7FF] =	sst s4;
	s9 =	smul.u32 $0x4F000, s1;
	s15 =	sadd.s32 $0x28600, s6  }
0x8: {  	s16 =	sadd.s32 $0x32600, s6;
	s31 =	sshll.u32 s1, $0x1;
	s5 =	smul.u32 $0x13C000, s7  }
0x9: {  	_ =	strace $0x80000047;
	s30 =	ssub.s32 $0x2, s7;
	s12 =	sor.u32 s7, s31  }
0xa: {  	s9 =	sshrl.u32 s9, $0x2;
	s10 =	sshrl.u32 s30, $0x1;
	s14 =	smul.u32 $0x500, s12  }
0xb: {  	s8 =	sadd.s32 s8, s5;
	s5 =	sadd.s32 $0x1400, s6;
	s13 =	ssub.s32 s30, s10  }
0xc: {  	s8 =	sshrl.u32 s8, $0x3;
	s12 =	smax.u32 s13, $0x1;
	s17 =	sadd.s32 $0x280, s14  }
0xd: {  	s13 =	sadd.s32 s15, s14;
	s14 =	sadd.s32 s16, s14;
	s11 =	sadd.s32 s8, s6  }
0xe: {  	s6 =	sadd.s32 s9, s3;
	s15 =	sadd.s32 s15, s17;
	s16 =	sadd.s32 s16, s17  }
0xf: {  	s17 =	simm.s32 $0x2800;
	s7 =	sadd.s32 $0x4000, s6;
	s8 =	sadd.s32 $0x8000, s6  }
0x10: {  	s9 =	sadd.s32 $0xC000, s6;
	s10 =	sadd.s32 $0x10000, s6;
	s11 =	sadd.s32 $0x3C600, s11  }
.LBB2_1:
0x11: {  	s0 =	rddreg [dreg:$0x1]  }
0x12: {  	[tilespmem:s17], [sflag:$0x3] =	stream.linear.gather [hbm4b:s0+s4], $0x4000, $0x38;
	[tilespmem:$0x1E400] =	vst v63  }
0x13: {  	_ =	swait.ge [sflag:s18], $0x4000  }
0x14: {  	[sflag:s18] =	ssyncset.done $0x0  }
0x15: {  	[sflag:s18] =	ssyncadd.s32 $0xFFFFC000  }
0x16: {  	[spmem:s6] =	stream.linear.scatter [tilespmem:s17], [sflag:$0x3], $0x4000, $0x38;
	[tilespmem:$0x1E400] =	vst v63  }
0x17: {  	_ =	swait.ge [sflag:s18], $0x4000  }
0x18: {  	[sflag:s18] =	ssyncset.done $0x0  }
0x19: {  	[sflag:s18] =	ssyncadd.s32 $0xFFFFC000  }
0x1a: {  	[spmem:s7] =	stream.linear.scatter [tilespmem:s17], [sflag:$0x3], $0x4000, $0x38;
	[tilespmem:$0x1E400] =	vst v63  }
0x1b: {  	_ =	swait.ge [sflag:s18], $0x4000  }
0x1c: {  	[sflag:s18] =	ssyncset.done $0x0  }
0x1d: {  	[sflag:s18] =	ssyncadd.s32 $0xFFFFC000  }
0x1e: {  	[spmem:s8] =	stream.linear.scatter [tilespmem:s17], [sflag:$0x3], $0x4000, $0x38;
	[tilespmem:$0x1E400] =	vst v63  }
0x1f: {  	_ =	swait.ge [sflag:s18], $0x4000  }
0x20: {  	[sflag:s18] =	ssyncset.done $0x0  }
0x21: {  	[sflag:s18] =	ssyncadd.s32 $0xFFFFC000  }
0x22: {  	[spmem:s9] =	stream.linear.scatter [tilespmem:s17], [sflag:$0x3], $0x4000, $0x38;
	[tilespmem:$0x1E400] =	vst v63  }
0x23: {  	_ =	swait.ge [sflag:s18], $0x4000  }
0x24: {  	[sflag:s18] =	ssyncset.done $0x0  }
0x25: {  	[sflag:s18] =	ssyncadd.s32 $0xFFFFC000  }
0x26: {  	[spmem:s10] =	stream.linear.scatter [tilespmem:s17], [sflag:$0x3], $0x3C00, $0x38;
	[tilespmem:$0x1E400] =	vst v63  }
0x27: {  	_ =	swait.ge [sflag:s18], $0x3C00  }
0x28: {  	[sflag:s18] =	ssyncset.done $0x0  }
0x29: {  	[sflag:s18] =	ssyncadd.s32 $0xFFFFC400  }
0x2a: {  	[bflag:$0x0] =	sbarrier.arrive $0xFFFF  }
0x2b: {  	[tilespmem:s4], [sflag:$0x3] =	stream.linear.gather [hbm4b:s13+s4], $0x1400, $0x38;
	[tilespmem:$0x1E400] =	vst v63  }
0x2c: {  	_ =	swait.ge [sflag:s18], $0x1400  }
0x2d: {  	[sflag:s18] =	ssyncset.done $0x0  }
0x2e: {  	[sflag:s18] =	ssyncadd.s32 $0xFFFFEC00  }
0x2f: {  	[tilespmem:s19], [sflag:$0x3] =	stream.linear.gather [hbm4b:s14+s4], $0x1400, $0x38;
	[tilespmem:$0x1E400] =	vst v63  }
0x30: {  	_ =	swait.ge [sflag:s18], $0x1400  }
0x31: {  	[sflag:s18] =	ssyncset.done $0x0  }
0x32: {  	[sflag:s18] =	ssyncadd.s32 $0xFFFFEC00  }
0x33: {  	[tilespmem:s17], [sflag:$0x1] =	stream.indirect.gather [hbm4b:s5+s20], $0x80, s4, s20, $0xb8;
	[tilespmem:$0x1E400] =	vst v63  }
0x34: {  	s29 =	simm.s32 $0x80  }
0x35: {  	[tilespmem:s21], [sflag:$0x2] =	stream.indirect.gather [hbm4b:s5+s20], $0x80, s29, s20, $0xb8;
	[tilespmem:$0x1E400] =	vst v63  }
0x36: {  	_ =	swait.ge [sflag:s22], $0x4000  }
0x37: {  	[sflag:s22] =	ssyncset.done $0x0  }
0x38: {  	s29 =	simm.s32 $0x1400;
	[sflag:s22] =	ssyncadd.s32 $0xFFFFC000  }
0x39: {  	[spmem:s3] =	stream.indirect.scatter.add.f32 [tilespmem:s17], [sflag:$0x3], $0x80, s29, s20, $0xb8;
	[tilespmem:$0x1E400] =	vst v63  }
0x3a: {  	_ =	swait.ge [sflag:s18], $0x4000  }
0x3b: {  	[sflag:s18] =	ssyncset.done $0x0  }
0x3c: {  	s29 =	simm.s32 $0x100;
	[sflag:s18] =	ssyncadd.s32 $0xFFFFC000  }
0x3d: {  	[tilespmem:s17], [sflag:$0x1] =	stream.indirect.gather [hbm4b:s5+s20], $0x80, s29, s20, $0xb8;
	[tilespmem:$0x1E400] =	vst v63  }
0x3e: {  	_ =	swait.ge [sflag:s23], $0x4000  }
0x3f: {  	[sflag:s23] =	ssyncset.done $0x0  }
0x40: {  	s29 =	simm.s32 $0x1480;
	[sflag:s23] =	ssyncadd.s32 $0xFFFFC000  }
0x41: {  	[spmem:s3] =	stream.indirect.scatter.add.f32 [tilespmem:s21], [sflag:$0x3], $0x80, s29, s20, $0xb8;
	[tilespmem:$0x1E400] =	vst v63  }
0x42: {  	_ =	swait.ge [sflag:s18], $0x4000  }
0x43: {  	s30 =	simm.s32 $0x800;
	s29 =	simm.s32 $0x100;
	[sflag:s18] =	ssyncset.done $0x0  }
.LBB2_2:
0x44: {  	s31 =	sadd.s32 $0x80, s29  }
0x45: {  	[sflag:s18] =	ssyncadd.s32 $0xFFFFC000;
	s0 =	smov.u32 s30;
	s2 =	sadd.s32 $0x400, s30  }
0x46: {  	[tilespmem:s21], [sflag:$0x2] =	stream.indirect.gather [hbm4b:s5+s20], $0x80, s31, s20, $0xb8;
	[tilespmem:$0x1E400] =	vst v63  }
0x47: {  	p0 =	sne.s32 s30, $0x4800;
	_ =	swait.ge [sflag:s22], $0x4000  }
0x48: {  	[sflag:s22] =	ssyncset.done $0x0  }
0x49: {  	s30 =	sadd.s32 $0x1400, s29;
	[sflag:s22] =	ssyncadd.s32 $0xFFFFC000  }
0x4a: {  	[spmem:s3] =	stream.indirect.scatter.add.f32 [tilespmem:s17], [sflag:$0x3], $0x80, s30, s20, $0xb8;
	[tilespmem:$0x1E400] =	vst v63  }
0x4b: {  	_ =	swait.ge [sflag:s18], $0x4000  }
0x4c: {  	[sflag:s18] =	ssyncset.done $0x0  }
0x4d: {  	s30 =	sadd.s32 $0x100, s29;
	[sflag:s18] =	ssyncadd.s32 $0xFFFFC000  }
0x4e: {  	[tilespmem:s17], [sflag:$0x1] =	stream.indirect.gather [hbm4b:s5+s20], $0x80, s30, s20, $0xb8;
	[tilespmem:$0x1E400] =	vst v63  }
0x4f: {  	_ =	swait.ge [sflag:s23], $0x4000  }
.Ltmp0:
0x50: {  	[sflag:s23] =	ssyncset.done $0x0;
	(pc) =	sbr.rel @p0 .LBB2_2-.Ltmp0, $4  }
0x51: {  	s29 =	sadd.s32 $0x1480, s29;
	[sflag:s23] =	ssyncadd.s32 $0xFFFFC000  }
0x52: {  	[spmem:s3] =	stream.indirect.scatter.add.f32 [tilespmem:s21], [sflag:$0x3], $0x80, s29, s20, $0xb8;
	[tilespmem:$0x1E400] =	vst v63  }
0x53: {  	_ =	swait.ge [sflag:s18], $0x4000  }
0x54: {  	s30 =	smov.u32 s2;
	s29 =	sshra.s32 s0, $0x2;
	[sflag:s18] =	ssyncset.done $0x0  }
0x55: {  	s0 =	sadd.s32 $0x80, s29;
	[sflag:s18] =	ssyncadd.s32 $0xFFFFC000  }
0x56: {  	[tilespmem:s21], [sflag:$0x2] =	stream.indirect.gather [hbm4b:s5+s20], $0x80, s0, s20, $0xb8;
	[tilespmem:$0x1E400] =	vst v63  }
0x57: {  	_ =	swait.ge [sflag:s22], $0x4000  }
0x58: {  	[sflag:s22] =	ssyncset.done $0x0  }
0x59: {  	s2 =	sadd.s32 $0x1400, s29;
	[sflag:s22] =	ssyncadd.s32 $0xFFFFC000  }
0x5a: {  	[spmem:s3] =	stream.indirect.scatter.add.f32 [tilespmem:s17], [sflag:$0x3], $0x80, s2, s20, $0xb8;
	[tilespmem:$0x1E400] =	vst v63  }
0x5b: {  	_ =	swait.ge [sflag:s18], $0x4000  }
0x5c: {  	[sflag:s18] =	ssyncset.done $0x0  }
0x5d: {  	s31 =	sadd.s32 $0x100, s29;
	[sflag:s18] =	ssyncadd.s32 $0xFFFFC000  }
0x5e: {  	[tilespmem:s17], [sflag:$0x1] =	stream.indirect.gather [hbm4b:s5+s20], $0x80, s31, s20, $0xb8;
	[tilespmem:$0x1E400] =	vst v63  }
0x5f: {  	_ =	swait.ge [sflag:s23], $0x4000  }
0x60: {  	[sflag:s23] =	ssyncset.done $0x0  }
0x61: {  	s2 =	sadd.s32 $0x1480, s29;
	[sflag:s23] =	ssyncadd.s32 $0xFFFFC000  }
0x62: {  	[spmem:s3] =	stream.indirect.scatter.add.f32 [tilespmem:s21], [sflag:$0x3], $0x80, s2, s20, $0xb8;
	[tilespmem:$0x1E400] =	vst v63  }
0x63: {  	_ =	swait.ge [sflag:s18], $0x4000  }
0x64: {  	[sflag:s18] =	ssyncset.done $0x0  }
0x65: {  	[sflag:s18] =	ssyncadd.s32 $0xFFFFC000  }
0x66: {  	[tilespmem:s21], [sflag:$0x2] =	stream.indirect.gather [hbm4b:s5+s20], $0x80, s24, s20, $0xb8;
	[tilespmem:$0x1E400] =	vst v63  }
0x67: {  	_ =	swait.ge [sflag:s22], $0x4000  }
0x68: {  	[sflag:s22] =	ssyncset.done $0x0  }
0x69: {  	[sflag:s22] =	ssyncadd.s32 $0xFFFFC000  }
0x6a: {  	[spmem:s3] =	stream.indirect.scatter.add.f32 [tilespmem:s17], [sflag:$0x3], $0x80, s25, s20, $0xb8;
	[tilespmem:$0x1E400] =	vst v63  }
0x6b: {  	_ =	swait.ge [sflag:s18], $0x4000  }
0x6c: {  	[sflag:s18] =	ssyncset.done $0x0  }
0x6d: {  	[sflag:s18] =	ssyncadd.s32 $0xFFFFC000  }
0x6e: {  	_ =	swait.ge [sflag:s23], $0x4000  }
0x6f: {  	[sflag:s23] =	ssyncset.done $0x0  }
0x70: {  	[sflag:s23] =	ssyncadd.s32 $0xFFFFC000  }
0x71: {  	[spmem:s3] =	stream.indirect.scatter.add.f32 [tilespmem:s21], [sflag:$0x3], $0x80, s26, s20, $0xb8;
	[tilespmem:$0x1E400] =	vst v63  }
0x72: {  	_ =	swait.ge [sflag:s18], $0x4000  }
0x73: {  	[sflag:s18] =	ssyncset.done $0x0  }
0x74: {  	s31 =	simm.s32 $0x0;
	[sflag:s18] =	ssyncadd.s32 $0xFFFFC000  }
0x75: {  	[tilespmem:s31], [sflag:$0x3] =	stream.linear.gather [hbm4b:s15+s31], $0x1400, $0x38;
	[tilespmem:$0x1E400] =	vst v63  }
0x76: {  	_ =	swait.ge [sflag:s18], $0x1400  }
0x77: {  	[sflag:s18] =	ssyncset.done $0x0  }
0x78: {  	[sflag:s18] =	ssyncadd.s32 $0xFFFFEC00  }
0x79: {  	[tilespmem:s19], [sflag:$0x3] =	stream.linear.gather [hbm4b:s16+s31], $0x1400, $0x38;
	[tilespmem:$0x1E400] =	vst v63  }
0x7a: {  	_ =	swait.ge [sflag:s18], $0x1400  }
0x7b: {  	[sflag:s18] =	ssyncset.done $0x0  }
0x7c: {  	[sflag:s18] =	ssyncadd.s32 $0xFFFFEC00  }
0x7d: {  	[tilespmem:s17], [sflag:$0x1] =	stream.indirect.gather [hbm4b:s5+s20], $0x80, s31, s20, $0xb8;
	[tilespmem:$0x1E400] =	vst v63  }
0x7e: {  	s2 =	simm.s32 $0x80  }
0x7f: {  	[tilespmem:s21], [sflag:$0x2] =	stream.indirect.gather [hbm4b:s5+s20], $0x80, s2, s20, $0xb8;
	[tilespmem:$0x1E400] =	vst v63  }
0x80: {  	_ =	swait.ge [sflag:s22], $0x4000  }
0x81: {  	[sflag:s22] =	ssyncset.done $0x0  }
0x82: {  	s31 =	simm.s32 $0x1400;
	[sflag:s22] =	ssyncadd.s32 $0xFFFFC000  }
0x83: {  	[spmem:s3] =	stream.indirect.scatter.add.f32 [tilespmem:s17], [sflag:$0x3], $0x80, s31, s20, $0xb8;
	[tilespmem:$0x1E400] =	vst v63  }
0x84: {  	_ =	swait.ge [sflag:s18], $0x4000  }
0x85: {  	[sflag:s18] =	ssyncset.done $0x0  }
0x86: {  	s2 =	simm.s32 $0x100;
	[sflag:s18] =	ssyncadd.s32 $0xFFFFC000  }
0x87: {  	[tilespmem:s17], [sflag:$0x1] =	stream.indirect.gather [hbm4b:s5+s20], $0x80, s2, s20, $0xb8;
	[tilespmem:$0x1E400] =	vst v63  }
0x88: {  	_ =	swait.ge [sflag:s23], $0x4000  }
0x89: {  	[sflag:s23] =	ssyncset.done $0x0  }
0x8a: {  	s31 =	simm.s32 $0x1480;
	[sflag:s23] =	ssyncadd.s32 $0xFFFFC000  }
0x8b: {  	[spmem:s3] =	stream.indirect.scatter.add.f32 [tilespmem:s21], [sflag:$0x3], $0x80, s31, s20, $0xb8;
	[tilespmem:$0x1E400] =	vst v63  }
0x8c: {  	_ =	swait.ge [sflag:s18], $0x4000  }
0x8d: {  	s30 =	simm.s32 $0x800;
	s29 =	simm.s32 $0x100;
	[sflag:s18] =	ssyncset.done $0x0  }
.LBB2_4:
0x8e: {  	s0 =	sadd.s32 $0x80, s29  }
0x8f: {  	[sflag:s18] =	ssyncadd.s32 $0xFFFFC000;
	s2 =	smov.u32 s30;
	s31 =	sadd.s32 $0x400, s30  }
0x90: {  	[tilespmem:s21], [sflag:$0x2] =	stream.indirect.gather [hbm4b:s5+s20], $0x80, s0, s20, $0xb8;
	[tilespmem:$0x1E400] =	vst v63  }
0x91: {  	p0 =	sne.s32 s30, $0x4800;
	_ =	swait.ge [sflag:s22], $0x4000  }
0x92: {  	[sflag:s22] =	ssyncset.done $0x0  }
0x93: {  	s0 =	sadd.s32 $0x1400, s29;
	[sflag:s22] =	ssyncadd.s32 $0xFFFFC000  }
0x94: {  	[spmem:s3] =	stream.indirect.scatter.add.f32 [tilespmem:s17], [sflag:$0x3], $0x80, s0, s20, $0xb8;
	[tilespmem:$0x1E400] =	vst v63  }
0x95: {  	_ =	swait.ge [sflag:s18], $0x4000  }
0x96: {  	[sflag:s18] =	ssyncset.done $0x0  }
0x97: {  	s0 =	sadd.s32 $0x100, s29;
	[sflag:s18] =	ssyncadd.s32 $0xFFFFC000  }
0x98: {  	[tilespmem:s17], [sflag:$0x1] =	stream.indirect.gather [hbm4b:s5+s20], $0x80, s0, s20, $0xb8;
	[tilespmem:$0x1E400] =	vst v63  }
0x99: {  	_ =	swait.ge [sflag:s23], $0x4000  }
.Ltmp1:
0x9a: {  	[sflag:s23] =	ssyncset.done $0x0;
	(pc) =	sbr.rel @p0 .LBB2_4-.Ltmp1, $4  }
0x9b: {  	s0 =	sadd.s32 $0x1480, s29;
	[sflag:s23] =	ssyncadd.s32 $0xFFFFC000  }
0x9c: {  	[spmem:s3] =	stream.indirect.scatter.add.f32 [tilespmem:s21], [sflag:$0x3], $0x80, s0, s20, $0xb8;
	[tilespmem:$0x1E400] =	vst v63  }
0x9d: {  	_ =	swait.ge [sflag:s18], $0x4000  }
0x9e: {  	s30 =	smov.u32 s31;
	s29 =	sshra.s32 s2, $0x2;
	[sflag:s18] =	ssyncset.done $0x0  }
0x9f: {  	s0 =	sadd.s32 $0x80, s29;
	[sflag:s18] =	ssyncadd.s32 $0xFFFFC000  }
0xa0: {  	[tilespmem:s21], [sflag:$0x2] =	stream.indirect.gather [hbm4b:s5+s20], $0x80, s0, s20, $0xb8;
	[tilespmem:$0x1E400] =	vst v63  }
0xa1: {  	_ =	swait.ge [sflag:s22], $0x4000  }
0xa2: {  	[sflag:s22] =	ssyncset.done $0x0  }
0xa3: {  	s31 =	sadd.s32 $0x1400, s29;
	[sflag:s22] =	ssyncadd.s32 $0xFFFFC000  }
0xa4: {  	[spmem:s3] =	stream.indirect.scatter.add.f32 [tilespmem:s17], [sflag:$0x3], $0x80, s31, s20, $0xb8;
	[tilespmem:$0x1E400] =	vst v63  }
0xa5: {  	_ =	swait.ge [sflag:s18], $0x4000  }
0xa6: {  	[sflag:s18] =	ssyncset.done $0x0  }
0xa7: {  	s2 =	sadd.s32 $0x100, s29;
	[sflag:s18] =	ssyncadd.s32 $0xFFFFC000  }
0xa8: {  	[tilespmem:s17], [sflag:$0x1] =	stream.indirect.gather [hbm4b:s5+s20], $0x80, s2, s20, $0xb8;
	[tilespmem:$0x1E400] =	vst v63  }
0xa9: {  	_ =	swait.ge [sflag:s23], $0x4000  }
0xaa: {  	[sflag:s23] =	ssyncset.done $0x0  }
0xab: {  	s30 =	sadd.s32 $0x1480, s29;
	[sflag:s23] =	ssyncadd.s32 $0xFFFFC000  }
0xac: {  	[spmem:s3] =	stream.indirect.scatter.add.f32 [tilespmem:s21], [sflag:$0x3], $0x80, s30, s20, $0xb8;
	[tilespmem:$0x1E400] =	vst v63  }
0xad: {  	_ =	swait.ge [sflag:s18], $0x4000  }
0xae: {  	[sflag:s18] =	ssyncset.done $0x0  }
0xaf: {  	[sflag:s18] =	ssyncadd.s32 $0xFFFFC000  }
0xb0: {  	[tilespmem:s21], [sflag:$0x2] =	stream.indirect.gather [hbm4b:s5+s20], $0x80, s24, s20, $0xb8;
	[tilespmem:$0x1E400] =	vst v63  }
0xb1: {  	_ =	swait.ge [sflag:s22], $0x4000  }
0xb2: {  	[sflag:s22] =	ssyncset.done $0x0  }
0xb3: {  	[sflag:s22] =	ssyncadd.s32 $0xFFFFC000  }
0xb4: {  	[spmem:s3] =	stream.indirect.scatter.add.f32 [tilespmem:s17], [sflag:$0x3], $0x80, s25, s20, $0xb8;
	[tilespmem:$0x1E400] =	vst v63  }
0xb5: {  	_ =	swait.ge [sflag:s18], $0x4000  }
0xb6: {  	[sflag:s18] =	ssyncset.done $0x0  }
0xb7: {  	[sflag:s18] =	ssyncadd.s32 $0xFFFFC000  }
0xb8: {  	_ =	swait.ge [sflag:s23], $0x4000  }
0xb9: {  	[sflag:s23] =	ssyncset.done $0x0  }
0xba: {  	[sflag:s23] =	ssyncadd.s32 $0xFFFFC000  }
0xbb: {  	[spmem:s3] =	stream.indirect.scatter.add.f32 [tilespmem:s21], [sflag:$0x3], $0x80, s26, s20, $0xb8;
	[tilespmem:$0x1E400] =	vst v63  }
0xbc: {  	_ =	swait.ge [sflag:s18], $0x4000  }
0xbd: {  	s28 =	sadd.s32 $0x1, s28;
	s31 =	sshll.u32 s1, $0x6;
	[sflag:s18] =	ssyncset.done $0x0  }
0xbe: {  	p0 =	sne.s32 s28, s12;
	s0 =	sor.u32 $0x1C03, s31;
	[sflag:s18] =	ssyncadd.s32 $0xFFFFC000  }
.Ltmp2:
0xbf: {  	s2 =	sshrl.u32 s6, $0x3;
	[bflag:$0x0] =	sbarrier.arrive $0xFFFF;
	(pc) =	sbr.rel @p0 .LBB2_1-.Ltmp2, $4  }
0xc0: {  	[hbm:s11], [sflag:s0] =	dma.local [spmem:s2], $0x2780  }
0xc1: {  	_ =	swait.ge [sflag:s18], $0x2780  }
0xc2: {  	[sflag:s18] =	ssyncset.done $0x0  }
0xc3: {  	[sflag:s18] =	ssyncadd.s32 $0xFFFFD880  }
0xc4: {  	_ =	sfence.sel $0x180000  }
0xc5: {  	[bflag:$0x0] =	sbarrier.arrive $0xFFFF  }
0xc6: {  	_ =	strace $0x90000047  }
0xc7: {  	[bflag:$0x2] =	sbarrier.arrive $0xFFFF  }
0xc8: {  	p0 =	sne.s32 s1, $0x0;
	s0 =	rddreg [dreg:$0x3]  }
0xc9: {  	s0 =	sadd.s32 @!p0 $0x100000, s0  }
0xca: {  	[sflag:s0] =	ssyncadd.tile.s32 @!p0 $0x1;
	_ =	shalt  }
.Lfunc_end2:
_tile_overlayer_lowered:
.L_overlay_start_2:
0xcb: {  	(tag) =	ssettag $0x2  }
0xcc: {  	s0 =	rddreg [dreg:$0x0];
	s2 =	stileid.u32  }
0xcd: {  	s1 =	rddreg [dreg:$0x1];
	p0 =	sne.s32 s2, $0x0  }
0xce: {  	s3 =	rddreg [dreg:$0x2];
	[bflag:$0x3] =	sbarrier.arrive $0xFFFF;
	s2 =	simm.s32 @!p0 $0x1C03  }
0xcf: {  	[timem:s3], [sflag:s2] =	dma.local @!p0 [hbm:s0], s1  }
0xd0: {  	s0 =	simm.s32 @!p0 $0x3  }
0xd1: {  	_ =	swait.ge @!p0 [sflag:s0], s1  }
0xd2: {  	s1 =	ssub.s32 @!p0 $0x0, s1;
	[sflag:s0] =	ssyncset.done @!p0 $0x0  }
0xd3: {  	[sflag:s0] =	ssyncadd.s32 @!p0 s1  }
0xd4: {  	[bflag:$0x3] =	sbarrier.arrive $0xFFFF  }
0xd5: {  	_ =	shalt  }

</sc_bundles>
